<compile_context>
chip_gen: v7x
topology: tpu7x:2x2x1
jax: 0.10.2.dev20260603
libtpu: 0.0.44.dev20260713+nightly
codegen_flags: <defaults>
</compile_context>

<pallas_src>
import functools

import jax
import jax.numpy as jnp
from jax import lax
from jax.experimental import pallas as pl
from jax.experimental.pallas import tpu as pltpu
from jax.experimental.pallas import tpu_sc as plsc

VOCAB = 100000
HD = 64
HASH = 4096
B = 4096
L = 50
N = B * L
NC = 2
NS = 16
NW = NC * NS
CHUNK = N // NW
GB = 128
NG = CHUNK // GB
MULT = VOCAB % HASH
MASK = HASH - 1

_mesh = plsc.VectorSubcoreMesh(core_axis_name="c", subcore_axis_name="s")


@functools.partial(
    pl.kernel,
    out_type=jax.ShapeDtypeStruct((N, 2 * HD), jnp.float32),
    mesh=_mesh,
    compiler_params=pltpu.CompilerParams(use_tc_tiling_on_sc=False),
    scratch_types=[
        pltpu.VMEM((CHUNK + 16,), jnp.int32),
        pltpu.VMEM((CHUNK,), jnp.int32),
        pltpu.VMEM((2, GB, HD), jnp.float32),
        pltpu.VMEM((2, GB, HD), jnp.float32),
        pltpu.SemaphoreType.DMA((2,)),
        pltpu.SemaphoreType.DMA((2,)),
        pltpu.SemaphoreType.DMA((2,)),
    ],
)
def _bigram_gather(ids_hbm, u_hbm, b_hbm, out_hbm,
                   ids_v, bi_v, ue_v, be_v, sem_u, sem_b, sem_w):
    wid = lax.axis_index("s") * NC + lax.axis_index("c")
    base = wid * CHUNK
    pltpu.sync_copy(ids_hbm.at[pl.ds(base, CHUNK)], ids_v.at[pl.ds(16, CHUNK)])

    lanes = lax.iota(jnp.int32, 16)

    def bi_body(j, carry):
        o = 16 + j * 16
        cur = ids_v[pl.ds(o, 16)]
        prev = ids_v[pl.ds(o - 1, 16)]
        pos = (j * 16 + lanes) % L
        pi = jnp.where(pos == 0, 0, prev)
        bi_v[pl.ds(j * 16, 16)] = ((pi & MASK) * MULT + cur) & MASK
        return carry

    lax.fori_loop(0, CHUNK // 16, bi_body, 0)

    def issue(g, p):
        pltpu.async_copy(u_hbm.at[ids_v.at[pl.ds(16 + g * GB, GB)]],
                         ue_v.at[p], sem_u.at[p])
        pltpu.async_copy(b_hbm.at[bi_v.at[pl.ds(g * GB, GB)]],
                         be_v.at[p], sem_b.at[p])

    def wait_gathers(p):
        pltpu.make_async_copy(u_hbm.at[pl.ds(0, GB)], ue_v.at[p],
                              sem_u.at[p]).wait()
        pltpu.make_async_copy(b_hbm.at[pl.ds(0, GB)], be_v.at[p],
                              sem_b.at[p]).wait()

    def issue_w(g, p):
        ro = base + g * GB
        pltpu.async_copy(ue_v.at[p], out_hbm.at[pl.ds(ro, GB), pl.ds(0, HD)],
                         sem_w.at[p])
        pltpu.async_copy(be_v.at[p], out_hbm.at[pl.ds(ro, GB), pl.ds(HD, HD)],
                         sem_w.at[p])

    def wait_w(p):
        pltpu.make_async_copy(ue_v.at[p],
                              out_hbm.at[pl.ds(base, GB), pl.ds(0, HD)],
                              sem_w.at[p]).wait()
        pltpu.make_async_copy(be_v.at[p],
                              out_hbm.at[pl.ds(base, GB), pl.ds(HD, HD)],
                              sem_w.at[p]).wait()

    issue(0, 0)

    def g_body(i, carry):
        for (off, p, q) in ((0, 0, 1), (1, 1, 0)):
            g = 2 * i + off

            @pl.when(g + 1 < NG)
            def _():
                @pl.when(g >= 1)
                def _():
                    wait_w(q)

                issue(g + 1, q)

            wait_gathers(p)
            issue_w(g, p)
        return carry

    lax.fori_loop(0, NG // 2, g_body, 0)
    wait_w(0)
    wait_w(1)


def kernel(ids, u, b):
    out = _bigram_gather(ids.reshape(N), u, b)
    return out.reshape(B, L, 2 * HD)

# --- scband reference (transcript-rebuilt; emitter-appended) ---
"""Pipeline reference for scband-bigram-hash-88751204204855 (READ-ONLY COPY).

The authoritative reference and input builder live on the scoring server;
editing this copy changes nothing except your own understanding.
"""

import jax, jax.numpy as jnp
import numpy as np

VOCAB = 100000
DIM = 128
HD = DIM // 2
HASH = 4096
B = 4096
L = 50


def setup_inputs(seed: int = 0) -> dict:
    key = jax.random.key(seed)
    k1, k2, k3 = jax.random.split(key, 3)
    ids = jax.random.randint(k1, (B, L), 0, VOCAB, dtype=jnp.int32)
    u = jax.random.normal(k2, (VOCAB, HD), dtype=jnp.float32) * 0.02
    u = u.at[:4].multiply(0.5)
    b = jax.random.normal(k3, (HASH, HD), dtype=jnp.float32) * 0.01 * 0.8
    return {"ids": ids, "u": u, "b": b}


def reference(ids, u, b):
    # unigram embedding lookup
    ue = jnp.take(u, ids, axis=0)
    # previous-token ids, left-padded with 0
    pi = jnp.pad(ids[:, :-1], ((0, 0), (1, 0)), constant_values=0)
    # bigram hash: (pi * VOCAB + ids) % HASH, computed with modular arithmetic
    # to stay within int32 range (mathematically identical to int64 computation)
    bi = ((pi % HASH) * (VOCAB % HASH) + ids) % HASH
    be = jnp.take(b, bi, axis=0)
    return jnp.concatenate([ue, be], axis=-1)

if __name__ == "__main__":
    import jax
    _d = setup_inputs()
    print(jax.jit(kernel)(*tuple(_d.values())))

</pallas_src>

<mosaic_0001>
#map = affine_map<(d0, d1) -> (0)>
#map1 = affine_map<(d0, d1) -> (0, 0)>
module attributes {stable_mosaic.version = 14 : i64} {
  func.func @_bigram_gather(%arg0: i32, %arg1: i32, %arg2: memref<204800xi32, #tpu.memory_space<hbm>>, %arg3: memref<100000x64xf32, #tpu.memory_space<hbm>>, %arg4: memref<4096x64xf32, #tpu.memory_space<hbm>>, %arg5: memref<204800x128xf32, #tpu.memory_space<hbm>>, %arg6: memref<6416xi32, #tpu.memory_space<vmem>>, %arg7: memref<6400xi32, #tpu.memory_space<vmem>>, %arg8: memref<2x128x64xf32, #tpu.memory_space<vmem>>, %arg9: memref<2x128x64xf32, #tpu.memory_space<vmem>>, %arg10: memref<2x!tpu.dma_semaphore, #tpu.memory_space<semaphore_mem>>, %arg11: memref<2x!tpu.dma_semaphore, #tpu.memory_space<semaphore_mem>>, %arg12: memref<2x!tpu.dma_semaphore, #tpu.memory_space<semaphore_mem>>) attributes {dimension_semantics = [#tpu.dimension_semantics<core_parallel>, #tpu.dimension_semantics<subcore_parallel>], iteration_bounds = array<i64: 2, 16>, scalar_prefetch = 0 : i64, scratch_operands = 7 : i64, tpu.core_type = #tpu.core_type<sc_vector_subcore>, window_params = [{transform_indices = #map}, {transform_indices = #map1}, {transform_indices = #map1}, {transform_indices = #map1}]} {
    %mul3A = arith.constant 2 : i32
    %mul3A_0 = arith.muli %arg1, %mul3A : i32
    %add3A = arith.addi %mul3A_0, %arg0 : i32
    %mul3A_1 = arith.constant 6400 : i32
    %mul3A_2 = arith.muli %add3A, %mul3A_1 : i32
    "tpu.region"() ({
      %run_scoped3A = tpu.sem_alloc : memref<!tpu.dma_semaphore, #tpu.memory_space<semaphore_mem>>
      %dma_start3A_102 = arith.constant 16 : i32
      %dma_start3A_103 = tpu.memref_slice %arg6[%dma_start3A_102] : memref<6416xi32, #tpu.memory_space<vmem>> -> memref<6400xi32, #tpu.memory_space<vmem>>
      %dma_start3A_104 = tpu.memref_slice %arg2[%mul3A_2] : memref<204800xi32, #tpu.memory_space<hbm>> -> memref<6400xi32, #tpu.memory_space<hbm>>
      %dma_start3A_105 = arith.constant 16 : i32
      %dma_start3A_106 = tpu.memref_slice %arg6[%dma_start3A_105] : memref<6416xi32, #tpu.memory_space<vmem>> -> memref<6400xi32, #tpu.memory_space<vmem>>
      %dma_start3A_107 = tpu.memref_slice %arg2[%mul3A_2] : memref<204800xi32, #tpu.memory_space<hbm>> -> memref<6400xi32, #tpu.memory_space<hbm>>
      tpu.enqueue_dma source(%dma_start3A_107 : memref<6400xi32, #tpu.memory_space<hbm>>) target(%dma_start3A_106 : memref<6400xi32, #tpu.memory_space<vmem>>) target_semaphore(%run_scoped3A : memref<!tpu.dma_semaphore, #tpu.memory_space<semaphore_mem>>)
      %dma_wait3A_108 = arith.constant 16 : i32
      %dma_wait3A_109 = tpu.memref_slice %arg6[%dma_wait3A_108] : memref<6416xi32, #tpu.memory_space<vmem>> -> memref<6400xi32, #tpu.memory_space<vmem>>
      %dma_wait3A_110 = tpu.memref_slice %arg2[%mul3A_2] : memref<204800xi32, #tpu.memory_space<hbm>> -> memref<6400xi32, #tpu.memory_space<hbm>>
      %dma_wait3A_111 = arith.constant 16 : i32
      %dma_wait3A_112 = tpu.memref_slice %arg6[%dma_wait3A_111] : memref<6416xi32, #tpu.memory_space<vmem>> -> memref<6400xi32, #tpu.memory_space<vmem>>
      %dma_wait3A_113 = tpu.memref_slice %arg2[%mul3A_2] : memref<204800xi32, #tpu.memory_space<hbm>> -> memref<6400xi32, #tpu.memory_space<hbm>>
      tpu.wait_dma2 semaphore(%run_scoped3A : memref<!tpu.dma_semaphore, #tpu.memory_space<semaphore_mem>>) src(%dma_wait3A_113 : memref<6400xi32, #tpu.memory_space<hbm>>) dst(%dma_wait3A_112 : memref<6400xi32, #tpu.memory_space<vmem>>)
      tpu.yield
    }) : () -> ()
    %iota3A = tpu.iota {dimensions = array<i32: 0>} : vector<16xi32>
    %scan3A = arith.constant 0 : i32
    %scan3A_3 = arith.constant 0 : i32
    %scan3A_4 = arith.constant 400 : i32
    %scan3A_5 = arith.addi %scan3A_3, %scan3A_4 : i32
    %scan3A_6 = arith.constant 1 : i32
    scf.for %scan3A_102 = %scan3A_3 to %scan3A_5 step %scan3A_6  : i32 {
      %mul3A_103 = arith.constant 16 : i32
      %mul3A_104 = arith.muli %scan3A_102, %mul3A_103 : i32
      %add3A_105 = arith.constant 16 : i32
      %add3A_106 = arith.addi %add3A_105, %mul3A_104 : i32
      %get3A = arith.index_cast %add3A_106 : i32 to index
      %get3A_107 = tpu.vector_load %arg6[%get3A] {strides = array<i32>} : memref<6416xi32, #tpu.memory_space<vmem>>, vector<16xi32>,
      %get3A_108 = vector.shape_cast %get3A_107 : vector<16xi32> to vector<16xi32>
      %sub3A = arith.constant 1 : i32
      %sub3A_109 = arith.subi %add3A_106, %sub3A : i32
      %get3A_110 = arith.index_cast %sub3A_109 : i32 to index
      %get3A_111 = tpu.vector_load %arg6[%get3A_110] {strides = array<i32>} : memref<6416xi32, #tpu.memory_space<vmem>>, vector<16xi32>,
      %get3A_112 = vector.shape_cast %get3A_111 : vector<16xi32> to vector<16xi32>
      %mul3A_113 = arith.constant 16 : i32
      %mul3A_114 = arith.muli %scan3A_102, %mul3A_113 : i32
      %add3A_115 = vector.broadcast %mul3A_114 : i32 to vector<16xi32>
      %add3A_116 = arith.addi %add3A_115, %iota3A : vector<16xi32>
      %jit3A = arith.constant 50 : i32
      %eq3A = arith.constant 0 : i32
      %eq3A_117 = arith.cmpi eq, %jit3A, %eq3A : i32
      %jit3A_118 = arith.constant 1 : i32
      %select_n3A = arith.select %eq3A_117, %jit3A_118, %jit3A : i32
      %rem3A = vector.broadcast %select_n3A : i32 to vector<16xi32>
      %rem3A_119 = arith.remsi %add3A_116, %rem3A : vector<16xi32>
      %ne3A = arith.constant 0 : i32
      %ne3A_120 = vector.broadcast %ne3A : i32 to vector<16xi32>
      %ne3A_121 = arith.cmpi ne, %rem3A_119, %ne3A_120 : vector<16xi32>
      %lt3A = arith.constant 0 : i32
      %lt3A_122 = vector.broadcast %lt3A : i32 to vector<16xi32>
      %lt3A_123 = arith.cmpi slt, %rem3A_119, %lt3A_122 : vector<16xi32>
      %lt3A_124 = arith.constant 0 : i32
      %lt3A_125 = arith.cmpi slt, %select_n3A, %lt3A_124 : i32
      %ne3A_126 = vector.broadcast %lt3A_125 : i1 to vector<16xi1>
      %ne3A_127 = vector.broadcast %ne3A_126 : vector<16xi1> to vector<16xi1>
      %ne3A_128 = arith.xori %lt3A_123, %ne3A_127 : vector<16xi1>
      %and3A = arith.andi %ne3A_128, %ne3A_121 : vector<16xi1>
      %add3A_129 = vector.broadcast %select_n3A : i32 to vector<16xi32>
      %add3A_130 = arith.addi %rem3A_119, %add3A_129 : vector<16xi32>
      %select_n3A_131 = arith.select %and3A, %add3A_130, %rem3A_119 : vector<16xi1>, vector<16xi32>
      %eq3A_132 = arith.constant 0 : i32
      %eq3A_133 = vector.broadcast %eq3A_132 : i32 to vector<16xi32>
      %eq3A_134 = arith.cmpi eq, %select_n3A_131, %eq3A_133 : vector<16xi32>
      %jit3A_135 = arith.constant 0 : i32
      %broadcast_in_dim3A = vector.broadcast %jit3A_135 : i32 to vector<16xi32>
      %select_n3A_136 = arith.select %eq3A_134, %broadcast_in_dim3A, %get3A_112 : vector<16xi1>, vector<16xi32>
      %and3A_137 = arith.constant 4095 : i32
      %and3A_138 = vector.broadcast %and3A_137 : i32 to vector<16xi32>
      %and3A_139 = arith.andi %select_n3A_136, %and3A_138 : vector<16xi32>
      %mul3A_140 = arith.constant 1696 : i32
      %mul3A_141 = vector.broadcast %mul3A_140 : i32 to vector<16xi32>
      %mul3A_142 = arith.muli %and3A_139, %mul3A_141 : vector<16xi32>
      %add3A_143 = arith.addi %mul3A_142, %get3A_108 : vector<16xi32>
      %and3A_144 = arith.constant 4095 : i32
      %and3A_145 = vector.broadcast %and3A_144 : i32 to vector<16xi32>
      %and3A_146 = arith.andi %add3A_143, %and3A_145 : vector<16xi32>
      %mul3A_147 = arith.constant 16 : i32
      %mul3A_148 = arith.muli %scan3A_102, %mul3A_147 : i32
      %swap3A = arith.index_cast %mul3A_148 : i32 to index
      %swap3A_149 = tpu.vector_load %arg7[%swap3A] {strides = array<i32>} : memref<6400xi32, #tpu.memory_space<vmem>>, vector<16xi32>,
      %swap3A_150 = vector.shape_cast %swap3A_149 : vector<16xi32> to vector<16xi32>
      %swap3A_151 = vector.shape_cast %and3A_146 : vector<16xi32> to vector<16xi32>
      tpu.vector_store %arg7[%swap3A], %swap3A_151 {strides = array<i32>} : memref<6400xi32, #tpu.memory_space<vmem>>, vector<16xi32>,
    }
    %scan3A_7 = arith.constant 400 : i32
    %dma_start3A = arith.constant 0 : i32
    %dma_start3A_8 = arith.constant 0 : i32
    %dma_start3A_9 = arith.constant 0 : i32
    %dma_start3A_10 = arith.constant 0 : i32
    %dma_start3A_11 = tpu.memref_slice %arg8[%dma_start3A, %dma_start3A_9, %dma_start3A_10] : memref<2x128x64xf32, #tpu.memory_space<vmem>> -> memref<1x128x64xf32, #tpu.memory_space<vmem>>
    %dma_start3A_12 = tpu.memref_squeeze %dma_start3A_11 : memref<1x128x64xf32, #tpu.memory_space<vmem>> -> memref<128x64xf32, #tpu.memory_space<vmem>>
    %dma_start3A_13 = arith.constant 16 : i32
    %dma_start3A_14 = tpu.memref_slice %arg6[%dma_start3A_13] : memref<6416xi32, #tpu.memory_space<vmem>> -> memref<128xi32, #tpu.memory_space<vmem>>
    %dma_start3A_15 = arith.constant 0 : i32
    %dma_start3A_16 = arith.constant 0 : i32
    %dma_start3A_17 = tpu.memref_slice %arg3[%dma_start3A_15, %dma_start3A_16] : memref<100000x64xf32, #tpu.memory_space<hbm>> -> memref<100000x64xf32, #tpu.memory_space<hbm>>
    %dma_start3A_18 = tpu.memref_slice %arg10[%dma_start3A_8] : memref<2x!tpu.dma_semaphore, #tpu.memory_space<semaphore_mem>> -> memref<1x!tpu.dma_semaphore, #tpu.memory_space<semaphore_mem>>
    %dma_start3A_19 = tpu.memref_squeeze %dma_start3A_18 : memref<1x!tpu.dma_semaphore, #tpu.memory_space<semaphore_mem>> -> memref<!tpu.dma_semaphore, #tpu.memory_space<semaphore_mem>>
    tpu.enqueue_indirect_dma source(%dma_start3A_17 : memref<100000x64xf32, #tpu.memory_space<hbm>>) target(%dma_start3A_12 : memref<128x64xf32, #tpu.memory_space<vmem>>) offsets(%dma_start3A_14 : memref<128xi32, #tpu.memory_space<vmem>>) semaphore(%dma_start3A_19 : memref<!tpu.dma_semaphore, #tpu.memory_space<semaphore_mem>>)
    %dma_start3A_20 = arith.constant 0 : i32
    %dma_start3A_21 = arith.constant 0 : i32
    %dma_start3A_22 = arith.constant 0 : i32
    %dma_start3A_23 = arith.constant 0 : i32
    %dma_start3A_24 = tpu.memref_slice %arg9[%dma_start3A_20, %dma_start3A_22, %dma_start3A_23] : memref<2x128x64xf32, #tpu.memory_space<vmem>> -> memref<1x128x64xf32, #tpu.memory_space<vmem>>
    %dma_start3A_25 = tpu.memref_squeeze %dma_start3A_24 : memref<1x128x64xf32, #tpu.memory_space<vmem>> -> memref<128x64xf32, #tpu.memory_space<vmem>>
    %dma_start3A_26 = arith.constant 0 : i32
    %dma_start3A_27 = tpu.memref_slice %arg7[%dma_start3A_26] : memref<6400xi32, #tpu.memory_space<vmem>> -> memref<128xi32, #tpu.memory_space<vmem>>
    %dma_start3A_28 = arith.constant 0 : i32
    %dma_start3A_29 = arith.constant 0 : i32
    %dma_start3A_30 = tpu.memref_slice %arg4[%dma_start3A_28, %dma_start3A_29] : memref<4096x64xf32, #tpu.memory_space<hbm>> -> memref<4096x64xf32, #tpu.memory_space<hbm>>
    %dma_start3A_31 = tpu.memref_slice %arg11[%dma_start3A_21] : memref<2x!tpu.dma_semaphore, #tpu.memory_space<semaphore_mem>> -> memref<1x!tpu.dma_semaphore, #tpu.memory_space<semaphore_mem>>
    %dma_start3A_32 = tpu.memref_squeeze %dma_start3A_31 : memref<1x!tpu.dma_semaphore, #tpu.memory_space<semaphore_mem>> -> memref<!tpu.dma_semaphore, #tpu.memory_space<semaphore_mem>>
    tpu.enqueue_indirect_dma source(%dma_start3A_30 : memref<4096x64xf32, #tpu.memory_space<hbm>>) target(%dma_start3A_25 : memref<128x64xf32, #tpu.memory_space<vmem>>) offsets(%dma_start3A_27 : memref<128xi32, #tpu.memory_space<vmem>>) semaphore(%dma_start3A_32 : memref<!tpu.dma_semaphore, #tpu.memory_space<semaphore_mem>>)
    %scan3A_33 = arith.constant 0 : i32
    %scan3A_34 = arith.constant 0 : i32
    %scan3A_35 = arith.constant 25 : i32
    %scan3A_36 = arith.addi %scan3A_34, %scan3A_35 : i32
    %scan3A_37 = arith.constant 1 : i32
    scf.for %scan3A_102 = %scan3A_34 to %scan3A_36 step %scan3A_37  : i32 {
      %mul3A_103 = arith.constant 2 : i32
      %mul3A_104 = arith.muli %mul3A_103, %scan3A_102 : i32
      %add3A_105 = arith.constant 0 : i32
      %add3A_106 = arith.addi %mul3A_104, %add3A_105 : i32
      %add3A_107 = arith.constant 1 : i32
      %add3A_108 = arith.addi %add3A_106, %add3A_107 : i32
      %lt3A = arith.constant 50 : i32
      %lt3A_109 = arith.cmpi slt, %add3A_108, %lt3A : i32
      %convert_element_type3A = arith.extui %lt3A_109 : i1 to i32
      %cond3A = arith.constant 0 : i32
      %cond3A_110 = arith.cmpi ne, %convert_element_type3A, %cond3A : i32
      scf.if %cond3A_110 {
        %ge3A = arith.constant 1 : i32
        %ge3A_264 = arith.cmpi sge, %add3A_106, %ge3A : i32
        %convert_element_type3A_265 = arith.extui %ge3A_264 : i1 to i32
        %cond3A_266 = arith.constant 0 : i32
        %cond3A_267 = arith.cmpi ne, %convert_element_type3A_265, %cond3A_266 : i32
        scf.if %cond3A_267 {
          %dma_wait3A_300 = arith.constant 1 : i32
          %dma_wait3A_301 = arith.constant 1 : i32
          %dma_wait3A_302 = arith.constant 0 : i32
          %dma_wait3A_303 = arith.constant 0 : i32
          %dma_wait3A_304 = tpu.memref_slice %arg8[%dma_wait3A_300, %dma_wait3A_302, %dma_wait3A_303] : memref<2x128x64xf32, #tpu.memory_space<vmem>> -> memref<1x128x64xf32, #tpu.memory_space<vmem>>
          %dma_wait3A_305 = tpu.memref_squeeze %dma_wait3A_304 : memref<1x128x64xf32, #tpu.memory_space<vmem>> -> memref<128x64xf32, #tpu.memory_space<vmem>>
          %dma_wait3A_306 = arith.constant 0 : i32
          %dma_wait3A_307 = tpu.memref_slice %arg5[%mul3A_2, %dma_wait3A_306] : memref<204800x128xf32, #tpu.memory_space<hbm>> -> memref<128x64xf32, #tpu.memory_space<hbm>>
          %dma_wait3A_308 = tpu.memref_slice %arg12[%dma_wait3A_301] : memref<2x!tpu.dma_semaphore, #tpu.memory_space<semaphore_mem>> -> memref<1x!tpu.dma_semaphore, #tpu.memory_space<semaphore_mem>>
          %dma_wait3A_309 = tpu.memref_squeeze %dma_wait3A_308 : memref<1x!tpu.dma_semaphore, #tpu.memory_space<semaphore_mem>> -> memref<!tpu.dma_semaphore, #tpu.memory_space<semaphore_mem>>
          %dma_wait3A_310 = arith.constant 0 : i32
          %dma_wait3A_311 = tpu.memref_slice %arg5[%mul3A_2, %dma_wait3A_310] : memref<204800x128xf32, #tpu.memory_space<hbm>> -> memref<128x64xf32, #tpu.memory_space<hbm>>
          %dma_wait3A_312 = arith.constant 0 : i32
          %dma_wait3A_313 = arith.constant 0 : i32
          %dma_wait3A_314 = tpu.memref_slice %arg8[%dma_wait3A_300, %dma_wait3A_312, %dma_wait3A_313] : memref<2x128x64xf32, #tpu.memory_space<vmem>> -> memref<1x128x64xf32, #tpu.memory_space<vmem>>
          %dma_wait3A_315 = tpu.memref_squeeze %dma_wait3A_314 : memref<1x128x64xf32, #tpu.memory_space<vmem>> -> memref<128x64xf32, #tpu.memory_space<vmem>>
          tpu.wait_dma2 semaphore(%dma_wait3A_309 : memref<!tpu.dma_semaphore, #tpu.memory_space<semaphore_mem>>) src(%dma_wait3A_315 : memref<128x64xf32, #tpu.memory_space<vmem>>) dst(%dma_wait3A_311 : memref<128x64xf32, #tpu.memory_space<hbm>>)
          %dma_wait3A_316 = arith.constant 1 : i32
          %dma_wait3A_317 = arith.constant 1 : i32
          %dma_wait3A_318 = arith.constant 0 : i32
          %dma_wait3A_319 = arith.constant 0 : i32
          %dma_wait3A_320 = tpu.memref_slice %arg9[%dma_wait3A_316, %dma_wait3A_318, %dma_wait3A_319] : memref<2x128x64xf32, #tpu.memory_space<vmem>> -> memref<1x128x64xf32, #tpu.memory_space<vmem>>
          %dma_wait3A_321 = tpu.memref_squeeze %dma_wait3A_320 : memref<1x128x64xf32, #tpu.memory_space<vmem>> -> memref<128x64xf32, #tpu.memory_space<vmem>>
          %dma_wait3A_322 = arith.constant 64 : i32
          %dma_wait3A_323 = tpu.memref_slice %arg5[%mul3A_2, %dma_wait3A_322] : memref<204800x128xf32, #tpu.memory_space<hbm>> -> memref<128x64xf32, #tpu.memory_space<hbm>>
          %dma_wait3A_324 = tpu.memref_slice %arg12[%dma_wait3A_317] : memref<2x!tpu.dma_semaphore, #tpu.memory_space<semaphore_mem>> -> memref<1x!tpu.dma_semaphore, #tpu.memory_space<semaphore_mem>>
          %dma_wait3A_325 = tpu.memref_squeeze %dma_wait3A_324 : memref<1x!tpu.dma_semaphore, #tpu.memory_space<semaphore_mem>> -> memref<!tpu.dma_semaphore, #tpu.memory_space<semaphore_mem>>
          %dma_wait3A_326 = arith.constant 64 : i32
          %dma_wait3A_327 = tpu.memref_slice %arg5[%mul3A_2, %dma_wait3A_326] : memref<204800x128xf32, #tpu.memory_space<hbm>> -> memref<128x64xf32, #tpu.memory_space<hbm>>
          %dma_wait3A_328 = arith.constant 0 : i32
          %dma_wait3A_329 = arith.constant 0 : i32
          %dma_wait3A_330 = tpu.memref_slice %arg9[%dma_wait3A_316, %dma_wait3A_328, %dma_wait3A_329] : memref<2x128x64xf32, #tpu.memory_space<vmem>> -> memref<1x128x64xf32, #tpu.memory_space<vmem>>
          %dma_wait3A_331 = tpu.memref_squeeze %dma_wait3A_330 : memref<1x128x64xf32, #tpu.memory_space<vmem>> -> memref<128x64xf32, #tpu.memory_space<vmem>>
          tpu.wait_dma2 semaphore(%dma_wait3A_325 : memref<!tpu.dma_semaphore, #tpu.memory_space<semaphore_mem>>) src(%dma_wait3A_331 : memref<128x64xf32, #tpu.memory_space<vmem>>) dst(%dma_wait3A_327 : memref<128x64xf32, #tpu.memory_space<hbm>>)
        } else {
        }
        %add3A_268 = arith.constant 1 : i32
        %add3A_269 = arith.addi %add3A_106, %add3A_268 : i32
        %mul3A_270 = arith.constant 128 : i32
        %mul3A_271 = arith.muli %add3A_269, %mul3A_270 : i32
        %add3A_272 = arith.constant 16 : i32
        %add3A_273 = arith.addi %add3A_272, %mul3A_271 : i32
        %dma_start3A_274 = arith.constant 1 : i32
        %dma_start3A_275 = arith.constant 1 : i32
        %dma_start3A_276 = arith.constant 0 : i32
        %dma_start3A_277 = arith.constant 0 : i32
        %dma_start3A_278 = tpu.memref_slice %arg8[%dma_start3A_274, %dma_start3A_276, %dma_start3A_277] : memref<2x128x64xf32, #tpu.memory_space<vmem>> -> memref<1x128x64xf32, #tpu.memory_space<vmem>>
        %dma_start3A_279 = tpu.memref_squeeze %dma_start3A_278 : memref<1x128x64xf32, #tpu.memory_space<vmem>> -> memref<128x64xf32, #tpu.memory_space<vmem>>
        %dma_start3A_280 = tpu.memref_slice %arg6[%add3A_273] : memref<6416xi32, #tpu.memory_space<vmem>> -> memref<128xi32, #tpu.memory_space<vmem>>
        %dma_start3A_281 = arith.constant 0 : i32
        %dma_start3A_282 = arith.constant 0 : i32
        %dma_start3A_283 = tpu.memref_slice %arg3[%dma_start3A_281, %dma_start3A_282] : memref<100000x64xf32, #tpu.memory_space<hbm>> -> memref<100000x64xf32, #tpu.memory_space<hbm>>
        %dma_start3A_284 = tpu.memref_slice %arg10[%dma_start3A_275] : memref<2x!tpu.dma_semaphore, #tpu.memory_space<semaphore_mem>> -> memref<1x!tpu.dma_semaphore, #tpu.memory_space<semaphore_mem>>
        %dma_start3A_285 = tpu.memref_squeeze %dma_start3A_284 : memref<1x!tpu.dma_semaphore, #tpu.memory_space<semaphore_mem>> -> memref<!tpu.dma_semaphore, #tpu.memory_space<semaphore_mem>>
        tpu.enqueue_indirect_dma source(%dma_start3A_283 : memref<100000x64xf32, #tpu.memory_space<hbm>>) target(%dma_start3A_279 : memref<128x64xf32, #tpu.memory_space<vmem>>) offsets(%dma_start3A_280 : memref<128xi32, #tpu.memory_space<vmem>>) semaphore(%dma_start3A_285 : memref<!tpu.dma_semaphore, #tpu.memory_space<semaphore_mem>>)
        %mul3A_286 = arith.constant 128 : i32
        %mul3A_287 = arith.muli %add3A_269, %mul3A_286 : i32
        %dma_start3A_288 = arith.constant 1 : i32
        %dma_start3A_289 = arith.constant 1 : i32
        %dma_start3A_290 = arith.constant 0 : i32
        %dma_start3A_291 = arith.constant 0 : i32
        %dma_start3A_292 = tpu.memref_slice %arg9[%dma_start3A_288, %dma_start3A_290, %dma_start3A_291] : memref<2x128x64xf32, #tpu.memory_space<vmem>> -> memref<1x128x64xf32, #tpu.memory_space<vmem>>
        %dma_start3A_293 = tpu.memref_squeeze %dma_start3A_292 : memref<1x128x64xf32, #tpu.memory_space<vmem>> -> memref<128x64xf32, #tpu.memory_space<vmem>>
        %dma_start3A_294 = tpu.memref_slice %arg7[%mul3A_287] : memref<6400xi32, #tpu.memory_space<vmem>> -> memref<128xi32, #tpu.memory_space<vmem>>
        %dma_start3A_295 = arith.constant 0 : i32
        %dma_start3A_296 = arith.constant 0 : i32
        %dma_start3A_297 = tpu.memref_slice %arg4[%dma_start3A_295, %dma_start3A_296] : memref<4096x64xf32, #tpu.memory_space<hbm>> -> memref<4096x64xf32, #tpu.memory_space<hbm>>
        %dma_start3A_298 = tpu.memref_slice %arg11[%dma_start3A_289] : memref<2x!tpu.dma_semaphore, #tpu.memory_space<semaphore_mem>> -> memref<1x!tpu.dma_semaphore, #tpu.memory_space<semaphore_mem>>
        %dma_start3A_299 = tpu.memref_squeeze %dma_start3A_298 : memref<1x!tpu.dma_semaphore, #tpu.memory_space<semaphore_mem>> -> memref<!tpu.dma_semaphore, #tpu.memory_space<semaphore_mem>>
        tpu.enqueue_indirect_dma source(%dma_start3A_297 : memref<4096x64xf32, #tpu.memory_space<hbm>>) target(%dma_start3A_293 : memref<128x64xf32, #tpu.memory_space<vmem>>) offsets(%dma_start3A_294 : memref<128xi32, #tpu.memory_space<vmem>>) semaphore(%dma_start3A_299 : memref<!tpu.dma_semaphore, #tpu.memory_space<semaphore_mem>>)
      } else {
      }
      %dma_wait3A_111 = arith.constant 0 : i32
      %dma_wait3A_112 = arith.constant 0 : i32
      %dma_wait3A_113 = arith.constant 0 : i32
      %dma_wait3A_114 = arith.constant 0 : i32
      %dma_wait3A_115 = tpu.memref_slice %arg8[%dma_wait3A_111, %dma_wait3A_113, %dma_wait3A_114] : memref<2x128x64xf32, #tpu.memory_space<vmem>> -> memref<1x128x64xf32, #tpu.memory_space<vmem>>
      %dma_wait3A_116 = tpu.memref_squeeze %dma_wait3A_115 : memref<1x128x64xf32, #tpu.memory_space<vmem>> -> memref<128x64xf32, #tpu.memory_space<vmem>>
      %dma_wait3A_117 = arith.constant 0 : i32
      %dma_wait3A_118 = arith.constant 0 : i32
      %dma_wait3A_119 = tpu.memref_slice %arg3[%dma_wait3A_117, %dma_wait3A_118] : memref<100000x64xf32, #tpu.memory_space<hbm>> -> memref<128x64xf32, #tpu.memory_space<hbm>>
      %dma_wait3A_120 = tpu.memref_slice %arg10[%dma_wait3A_112] : memref<2x!tpu.dma_semaphore, #tpu.memory_space<semaphore_mem>> -> memref<1x!tpu.dma_semaphore, #tpu.memory_space<semaphore_mem>>
      %dma_wait3A_121 = tpu.memref_squeeze %dma_wait3A_120 : memref<1x!tpu.dma_semaphore, #tpu.memory_space<semaphore_mem>> -> memref<!tpu.dma_semaphore, #tpu.memory_space<semaphore_mem>>
      %dma_wait3A_122 = arith.constant 0 : i32
      %dma_wait3A_123 = arith.constant 0 : i32
      %dma_wait3A_124 = tpu.memref_slice %arg8[%dma_wait3A_111, %dma_wait3A_122, %dma_wait3A_123] : memref<2x128x64xf32, #tpu.memory_space<vmem>> -> memref<1x128x64xf32, #tpu.memory_space<vmem>>
      %dma_wait3A_125 = tpu.memref_squeeze %dma_wait3A_124 : memref<1x128x64xf32, #tpu.memory_space<vmem>> -> memref<128x64xf32, #tpu.memory_space<vmem>>
      %dma_wait3A_126 = arith.constant 0 : i32
      %dma_wait3A_127 = arith.constant 0 : i32
      %dma_wait3A_128 = tpu.memref_slice %arg3[%dma_wait3A_126, %dma_wait3A_127] : memref<100000x64xf32, #tpu.memory_space<hbm>> -> memref<128x64xf32, #tpu.memory_space<hbm>>
      tpu.wait_dma2 semaphore(%dma_wait3A_121 : memref<!tpu.dma_semaphore, #tpu.memory_space<semaphore_mem>>) src(%dma_wait3A_128 : memref<128x64xf32, #tpu.memory_space<hbm>>) dst(%dma_wait3A_125 : memref<128x64xf32, #tpu.memory_space<vmem>>)
      %dma_wait3A_129 = arith.constant 0 : i32
      %dma_wait3A_130 = arith.constant 0 : i32
      %dma_wait3A_131 = arith.constant 0 : i32
      %dma_wait3A_132 = arith.constant 0 : i32
      %dma_wait3A_133 = tpu.memref_slice %arg9[%dma_wait3A_129, %dma_wait3A_131, %dma_wait3A_132] : memref<2x128x64xf32, #tpu.memory_space<vmem>> -> memref<1x128x64xf32, #tpu.memory_space<vmem>>
      %dma_wait3A_134 = tpu.memref_squeeze %dma_wait3A_133 : memref<1x128x64xf32, #tpu.memory_space<vmem>> -> memref<128x64xf32, #tpu.memory_space<vmem>>
      %dma_wait3A_135 = arith.constant 0 : i32
      %dma_wait3A_136 = arith.constant 0 : i32
      %dma_wait3A_137 = tpu.memref_slice %arg4[%dma_wait3A_135, %dma_wait3A_136] : memref<4096x64xf32, #tpu.memory_space<hbm>> -> memref<128x64xf32, #tpu.memory_space<hbm>>
      %dma_wait3A_138 = tpu.memref_slice %arg11[%dma_wait3A_130] : memref<2x!tpu.dma_semaphore, #tpu.memory_space<semaphore_mem>> -> memref<1x!tpu.dma_semaphore, #tpu.memory_space<semaphore_mem>>
      %dma_wait3A_139 = tpu.memref_squeeze %dma_wait3A_138 : memref<1x!tpu.dma_semaphore, #tpu.memory_space<semaphore_mem>> -> memref<!tpu.dma_semaphore, #tpu.memory_space<semaphore_mem>>
      %dma_wait3A_140 = arith.constant 0 : i32
      %dma_wait3A_141 = arith.constant 0 : i32
      %dma_wait3A_142 = tpu.memref_slice %arg9[%dma_wait3A_129, %dma_wait3A_140, %dma_wait3A_141] : memref<2x128x64xf32, #tpu.memory_space<vmem>> -> memref<1x128x64xf32, #tpu.memory_space<vmem>>
      %dma_wait3A_143 = tpu.memref_squeeze %dma_wait3A_142 : memref<1x128x64xf32, #tpu.memory_space<vmem>> -> memref<128x64xf32, #tpu.memory_space<vmem>>
      %dma_wait3A_144 = arith.constant 0 : i32
      %dma_wait3A_145 = arith.constant 0 : i32
      %dma_wait3A_146 = tpu.memref_slice %arg4[%dma_wait3A_144, %dma_wait3A_145] : memref<4096x64xf32, #tpu.memory_space<hbm>> -> memref<128x64xf32, #tpu.memory_space<hbm>>
      tpu.wait_dma2 semaphore(%dma_wait3A_139 : memref<!tpu.dma_semaphore, #tpu.memory_space<semaphore_mem>>) src(%dma_wait3A_146 : memref<128x64xf32, #tpu.memory_space<hbm>>) dst(%dma_wait3A_143 : memref<128x64xf32, #tpu.memory_space<vmem>>)
      %mul3A_147 = arith.constant 128 : i32
      %mul3A_148 = arith.muli %add3A_106, %mul3A_147 : i32
      %add3A_149 = arith.addi %mul3A_2, %mul3A_148 : i32
      %dma_start3A_150 = arith.constant 0 : i32
      %dma_start3A_151 = arith.constant 0 : i32
      %dma_start3A_152 = arith.constant 0 : i32
      %dma_start3A_153 = arith.constant 0 : i32
      %dma_start3A_154 = tpu.memref_slice %arg8[%dma_start3A_150, %dma_start3A_152, %dma_start3A_153] : memref<2x128x64xf32, #tpu.memory_space<vmem>> -> memref<1x128x64xf32, #tpu.memory_space<vmem>>
      %dma_start3A_155 = tpu.memref_squeeze %dma_start3A_154 : memref<1x128x64xf32, #tpu.memory_space<vmem>> -> memref<128x64xf32, #tpu.memory_space<vmem>>
      %dma_start3A_156 = arith.constant 0 : i32
      %dma_start3A_157 = tpu.memref_slice %arg5[%add3A_149, %dma_start3A_156] : memref<204800x128xf32, #tpu.memory_space<hbm>> -> memref<128x64xf32, #tpu.memory_space<hbm>>
      %dma_start3A_158 = tpu.memref_slice %arg12[%dma_start3A_151] : memref<2x!tpu.dma_semaphore, #tpu.memory_space<semaphore_mem>> -> memref<1x!tpu.dma_semaphore, #tpu.memory_space<semaphore_mem>>
      %dma_start3A_159 = tpu.memref_squeeze %dma_start3A_158 : memref<1x!tpu.dma_semaphore, #tpu.memory_space<semaphore_mem>> -> memref<!tpu.dma_semaphore, #tpu.memory_space<semaphore_mem>>
      %dma_start3A_160 = arith.constant 0 : i32
      %dma_start3A_161 = tpu.memref_slice %arg5[%add3A_149, %dma_start3A_160] : memref<204800x128xf32, #tpu.memory_space<hbm>> -> memref<128x64xf32, #tpu.memory_space<hbm>>
      %dma_start3A_162 = arith.constant 0 : i32
      %dma_start3A_163 = arith.constant 0 : i32
      %dma_start3A_164 = tpu.memref_slice %arg8[%dma_start3A_150, %dma_start3A_162, %dma_start3A_163] : memref<2x128x64xf32, #tpu.memory_space<vmem>> -> memref<1x128x64xf32, #tpu.memory_space<vmem>>
      %dma_start3A_165 = tpu.memref_squeeze %dma_start3A_164 : memref<1x128x64xf32, #tpu.memory_space<vmem>> -> memref<128x64xf32, #tpu.memory_space<vmem>>
      tpu.enqueue_dma source(%dma_start3A_165 : memref<128x64xf32, #tpu.memory_space<vmem>>) target(%dma_start3A_161 : memref<128x64xf32, #tpu.memory_space<hbm>>) target_semaphore(%dma_start3A_159 : memref<!tpu.dma_semaphore, #tpu.memory_space<semaphore_mem>>)
      %dma_start3A_166 = arith.constant 0 : i32
      %dma_start3A_167 = arith.constant 0 : i32
      %dma_start3A_168 = arith.constant 0 : i32
      %dma_start3A_169 = arith.constant 0 : i32
      %dma_start3A_170 = tpu.memref_slice %arg9[%dma_start3A_166, %dma_start3A_168, %dma_start3A_169] : memref<2x128x64xf32, #tpu.memory_space<vmem>> -> memref<1x128x64xf32, #tpu.memory_space<vmem>>
      %dma_start3A_171 = tpu.memref_squeeze %dma_start3A_170 : memref<1x128x64xf32, #tpu.memory_space<vmem>> -> memref<128x64xf32, #tpu.memory_space<vmem>>
      %dma_start3A_172 = arith.constant 64 : i32
      %dma_start3A_173 = tpu.memref_slice %arg5[%add3A_149, %dma_start3A_172] : memref<204800x128xf32, #tpu.memory_space<hbm>> -> memref<128x64xf32, #tpu.memory_space<hbm>>
      %dma_start3A_174 = tpu.memref_slice %arg12[%dma_start3A_167] : memref<2x!tpu.dma_semaphore, #tpu.memory_space<semaphore_mem>> -> memref<1x!tpu.dma_semaphore, #tpu.memory_space<semaphore_mem>>
      %dma_start3A_175 = tpu.memref_squeeze %dma_start3A_174 : memref<1x!tpu.dma_semaphore, #tpu.memory_space<semaphore_mem>> -> memref<!tpu.dma_semaphore, #tpu.memory_space<semaphore_mem>>
      %dma_start3A_176 = arith.constant 64 : i32
      %dma_start3A_177 = tpu.memref_slice %arg5[%add3A_149, %dma_start3A_176] : memref<204800x128xf32, #tpu.memory_space<hbm>> -> memref<128x64xf32, #tpu.memory_space<hbm>>
      %dma_start3A_178 = arith.constant 0 : i32
      %dma_start3A_179 = arith.constant 0 : i32
      %dma_start3A_180 = tpu.memref_slice %arg9[%dma_start3A_166, %dma_start3A_178, %dma_start3A_179] : memref<2x128x64xf32, #tpu.memory_space<vmem>> -> memref<1x128x64xf32, #tpu.memory_space<vmem>>
      %dma_start3A_181 = tpu.memref_squeeze %dma_start3A_180 : memref<1x128x64xf32, #tpu.memory_space<vmem>> -> memref<128x64xf32, #tpu.memory_space<vmem>>
      tpu.enqueue_dma source(%dma_start3A_181 : memref<128x64xf32, #tpu.memory_space<vmem>>) target(%dma_start3A_177 : memref<128x64xf32, #tpu.memory_space<hbm>>) target_semaphore(%dma_start3A_175 : memref<!tpu.dma_semaphore, #tpu.memory_space<semaphore_mem>>)
      %mul3A_182 = arith.constant 2 : i32
      %mul3A_183 = arith.muli %mul3A_182, %scan3A_102 : i32
      %add3A_184 = arith.constant 1 : i32
      %add3A_185 = arith.addi %mul3A_183, %add3A_184 : i32
      %add3A_186 = arith.constant 1 : i32
      %add3A_187 = arith.addi %add3A_185, %add3A_186 : i32
      %lt3A_188 = arith.constant 50 : i32
      %lt3A_189 = arith.cmpi slt, %add3A_187, %lt3A_188 : i32
      %convert_element_type3A_190 = arith.extui %lt3A_189 : i1 to i32
      %cond3A_191 = arith.constant 0 : i32
      %cond3A_192 = arith.cmpi ne, %convert_element_type3A_190, %cond3A_191 : i32
      scf.if %cond3A_192 {
        %ge3A = arith.constant 1 : i32
        %ge3A_264 = arith.cmpi sge, %add3A_185, %ge3A : i32
        %convert_element_type3A_265 = arith.extui %ge3A_264 : i1 to i32
        %cond3A_266 = arith.constant 0 : i32
        %cond3A_267 = arith.cmpi ne, %convert_element_type3A_265, %cond3A_266 : i32
        scf.if %cond3A_267 {
          %dma_wait3A_300 = arith.constant 0 : i32
          %dma_wait3A_301 = arith.constant 0 : i32
          %dma_wait3A_302 = arith.constant 0 : i32
          %dma_wait3A_303 = arith.constant 0 : i32
          %dma_wait3A_304 = tpu.memref_slice %arg8[%dma_wait3A_300, %dma_wait3A_302, %dma_wait3A_303] : memref<2x128x64xf32, #tpu.memory_space<vmem>> -> memref<1x128x64xf32, #tpu.memory_space<vmem>>
          %dma_wait3A_305 = tpu.memref_squeeze %dma_wait3A_304 : memref<1x128x64xf32, #tpu.memory_space<vmem>> -> memref<128x64xf32, #tpu.memory_space<vmem>>
          %dma_wait3A_306 = arith.constant 0 : i32
          %dma_wait3A_307 = tpu.memref_slice %arg5[%mul3A_2, %dma_wait3A_306] : memref<204800x128xf32, #tpu.memory_space<hbm>> -> memref<128x64xf32, #tpu.memory_space<hbm>>
          %dma_wait3A_308 = tpu.memref_slice %arg12[%dma_wait3A_301] : memref<2x!tpu.dma_semaphore, #tpu.memory_space<semaphore_mem>> -> memref<1x!tpu.dma_semaphore, #tpu.memory_space<semaphore_mem>>
          %dma_wait3A_309 = tpu.memref_squeeze %dma_wait3A_308 : memref<1x!tpu.dma_semaphore, #tpu.memory_space<semaphore_mem>> -> memref<!tpu.dma_semaphore, #tpu.memory_space<semaphore_mem>>
          %dma_wait3A_310 = arith.constant 0 : i32
          %dma_wait3A_311 = tpu.memref_slice %arg5[%mul3A_2, %dma_wait3A_310] : memref<204800x128xf32, #tpu.memory_space<hbm>> -> memref<128x64xf32, #tpu.memory_space<hbm>>
          %dma_wait3A_312 = arith.constant 0 : i32
          %dma_wait3A_313 = arith.constant 0 : i32
          %dma_wait3A_314 = tpu.memref_slice %arg8[%dma_wait3A_300, %dma_wait3A_312, %dma_wait3A_313] : memref<2x128x64xf32, #tpu.memory_space<vmem>> -> memref<1x128x64xf32, #tpu.memory_space<vmem>>
          %dma_wait3A_315 = tpu.memref_squeeze %dma_wait3A_314 : memref<1x128x64xf32, #tpu.memory_space<vmem>> -> memref<128x64xf32, #tpu.memory_space<vmem>>
          tpu.wait_dma2 semaphore(%dma_wait3A_309 : memref<!tpu.dma_semaphore, #tpu.memory_space<semaphore_mem>>) src(%dma_wait3A_315 : memref<128x64xf32, #tpu.memory_space<vmem>>) dst(%dma_wait3A_311 : memref<128x64xf32, #tpu.memory_space<hbm>>)
          %dma_wait3A_316 = arith.constant 0 : i32
          %dma_wait3A_317 = arith.constant 0 : i32
          %dma_wait3A_318 = arith.constant 0 : i32
          %dma_wait3A_319 = arith.constant 0 : i32
          %dma_wait3A_320 = tpu.memref_slice %arg9[%dma_wait3A_316, %dma_wait3A_318, %dma_wait3A_319] : memref<2x128x64xf32, #tpu.memory_space<vmem>> -> memref<1x128x64xf32, #tpu.memory_space<vmem>>
          %dma_wait3A_321 = tpu.memref_squeeze %dma_wait3A_320 : memref<1x128x64xf32, #tpu.memory_space<vmem>> -> memref<128x64xf32, #tpu.memory_space<vmem>>
          %dma_wait3A_322 = arith.constant 64 : i32
          %dma_wait3A_323 = tpu.memref_slice %arg5[%mul3A_2, %dma_wait3A_322] : memref<204800x128xf32, #tpu.memory_space<hbm>> -> memref<128x64xf32, #tpu.memory_space<hbm>>
          %dma_wait3A_324 = tpu.memref_slice %arg12[%dma_wait3A_317] : memref<2x!tpu.dma_semaphore, #tpu.memory_space<semaphore_mem>> -> memref<1x!tpu.dma_semaphore, #tpu.memory_space<semaphore_mem>>
          %dma_wait3A_325 = tpu.memref_squeeze %dma_wait3A_324 : memref<1x!tpu.dma_semaphore, #tpu.memory_space<semaphore_mem>> -> memref<!tpu.dma_semaphore, #tpu.memory_space<semaphore_mem>>
          %dma_wait3A_326 = arith.constant 64 : i32
          %dma_wait3A_327 = tpu.memref_slice %arg5[%mul3A_2, %dma_wait3A_326] : memref<204800x128xf32, #tpu.memory_space<hbm>> -> memref<128x64xf32, #tpu.memory_space<hbm>>
          %dma_wait3A_328 = arith.constant 0 : i32
          %dma_wait3A_329 = arith.constant 0 : i32
          %dma_wait3A_330 = tpu.memref_slice %arg9[%dma_wait3A_316, %dma_wait3A_328, %dma_wait3A_329] : memref<2x128x64xf32, #tpu.memory_space<vmem>> -> memref<1x128x64xf32, #tpu.memory_space<vmem>>
          %dma_wait3A_331 = tpu.memref_squeeze %dma_wait3A_330 : memref<1x128x64xf32, #tpu.memory_space<vmem>> -> memref<128x64xf32, #tpu.memory_space<vmem>>
          tpu.wait_dma2 semaphore(%dma_wait3A_325 : memref<!tpu.dma_semaphore, #tpu.memory_space<semaphore_mem>>) src(%dma_wait3A_331 : memref<128x64xf32, #tpu.memory_space<vmem>>) dst(%dma_wait3A_327 : memref<128x64xf32, #tpu.memory_space<hbm>>)
        } else {
        }
        %add3A_268 = arith.constant 1 : i32
        %add3A_269 = arith.addi %add3A_185, %add3A_268 : i32
        %mul3A_270 = arith.constant 128 : i32
        %mul3A_271 = arith.muli %add3A_269, %mul3A_270 : i32
        %add3A_272 = arith.constant 16 : i32
        %add3A_273 = arith.addi %add3A_272, %mul3A_271 : i32
        %dma_start3A_274 = arith.constant 0 : i32
        %dma_start3A_275 = arith.constant 0 : i32
        %dma_start3A_276 = arith.constant 0 : i32
        %dma_start3A_277 = arith.constant 0 : i32
        %dma_start3A_278 = tpu.memref_slice %arg8[%dma_start3A_274, %dma_start3A_276, %dma_start3A_277] : memref<2x128x64xf32, #tpu.memory_space<vmem>> -> memref<1x128x64xf32, #tpu.memory_space<vmem>>
        %dma_start3A_279 = tpu.memref_squeeze %dma_start3A_278 : memref<1x128x64xf32, #tpu.memory_space<vmem>> -> memref<128x64xf32, #tpu.memory_space<vmem>>
        %dma_start3A_280 = tpu.memref_slice %arg6[%add3A_273] : memref<6416xi32, #tpu.memory_space<vmem>> -> memref<128xi32, #tpu.memory_space<vmem>>
        %dma_start3A_281 = arith.constant 0 : i32
        %dma_start3A_282 = arith.constant 0 : i32
        %dma_start3A_283 = tpu.memref_slice %arg3[%dma_start3A_281, %dma_start3A_282] : memref<100000x64xf32, #tpu.memory_space<hbm>> -> memref<100000x64xf32, #tpu.memory_space<hbm>>
        %dma_start3A_284 = tpu.memref_slice %arg10[%dma_start3A_275] : memref<2x!tpu.dma_semaphore, #tpu.memory_space<semaphore_mem>> -> memref<1x!tpu.dma_semaphore, #tpu.memory_space<semaphore_mem>>
        %dma_start3A_285 = tpu.memref_squeeze %dma_start3A_284 : memref<1x!tpu.dma_semaphore, #tpu.memory_space<semaphore_mem>> -> memref<!tpu.dma_semaphore, #tpu.memory_space<semaphore_mem>>
        tpu.enqueue_indirect_dma source(%dma_start3A_283 : memref<100000x64xf32, #tpu.memory_space<hbm>>) target(%dma_start3A_279 : memref<128x64xf32, #tpu.memory_space<vmem>>) offsets(%dma_start3A_280 : memref<128xi32, #tpu.memory_space<vmem>>) semaphore(%dma_start3A_285 : memref<!tpu.dma_semaphore, #tpu.memory_space<semaphore_mem>>)
        %mul3A_286 = arith.constant 128 : i32
        %mul3A_287 = arith.muli %add3A_269, %mul3A_286 : i32
        %dma_start3A_288 = arith.constant 0 : i32
        %dma_start3A_289 = arith.constant 0 : i32
        %dma_start3A_290 = arith.constant 0 : i32
        %dma_start3A_291 = arith.constant 0 : i32
        %dma_start3A_292 = tpu.memref_slice %arg9[%dma_start3A_288, %dma_start3A_290, %dma_start3A_291] : memref<2x128x64xf32, #tpu.memory_space<vmem>> -> memref<1x128x64xf32, #tpu.memory_space<vmem>>
        %dma_start3A_293 = tpu.memref_squeeze %dma_start3A_292 : memref<1x128x64xf32, #tpu.memory_space<vmem>> -> memref<128x64xf32, #tpu.memory_space<vmem>>
        %dma_start3A_294 = tpu.memref_slice %arg7[%mul3A_287] : memref<6400xi32, #tpu.memory_space<vmem>> -> memref<128xi32, #tpu.memory_space<vmem>>
        %dma_start3A_295 = arith.constant 0 : i32
        %dma_start3A_296 = arith.constant 0 : i32
        %dma_start3A_297 = tpu.memref_slice %arg4[%dma_start3A_295, %dma_start3A_296] : memref<4096x64xf32, #tpu.memory_space<hbm>> -> memref<4096x64xf32, #tpu.memory_space<hbm>>
        %dma_start3A_298 = tpu.memref_slice %arg11[%dma_start3A_289] : memref<2x!tpu.dma_semaphore, #tpu.memory_space<semaphore_mem>> -> memref<1x!tpu.dma_semaphore, #tpu.memory_space<semaphore_mem>>
        %dma_start3A_299 = tpu.memref_squeeze %dma_start3A_298 : memref<1x!tpu.dma_semaphore, #tpu.memory_space<semaphore_mem>> -> memref<!tpu.dma_semaphore, #tpu.memory_space<semaphore_mem>>
        tpu.enqueue_indirect_dma source(%dma_start3A_297 : memref<4096x64xf32, #tpu.memory_space<hbm>>) target(%dma_start3A_293 : memref<128x64xf32, #tpu.memory_space<vmem>>) offsets(%dma_start3A_294 : memref<128xi32, #tpu.memory_space<vmem>>) semaphore(%dma_start3A_299 : memref<!tpu.dma_semaphore, #tpu.memory_space<semaphore_mem>>)
      } else {
      }
      %dma_wait3A_193 = arith.constant 1 : i32
      %dma_wait3A_194 = arith.constant 1 : i32
      %dma_wait3A_195 = arith.constant 0 : i32
      %dma_wait3A_196 = arith.constant 0 : i32
      %dma_wait3A_197 = tpu.memref_slice %arg8[%dma_wait3A_193, %dma_wait3A_195, %dma_wait3A_196] : memref<2x128x64xf32, #tpu.memory_space<vmem>> -> memref<1x128x64xf32, #tpu.memory_space<vmem>>
      %dma_wait3A_198 = tpu.memref_squeeze %dma_wait3A_197 : memref<1x128x64xf32, #tpu.memory_space<vmem>> -> memref<128x64xf32, #tpu.memory_space<vmem>>
      %dma_wait3A_199 = arith.constant 0 : i32
      %dma_wait3A_200 = arith.constant 0 : i32
      %dma_wait3A_201 = tpu.memref_slice %arg3[%dma_wait3A_199, %dma_wait3A_200] : memref<100000x64xf32, #tpu.memory_space<hbm>> -> memref<128x64xf32, #tpu.memory_space<hbm>>
      %dma_wait3A_202 = tpu.memref_slice %arg10[%dma_wait3A_194] : memref<2x!tpu.dma_semaphore, #tpu.memory_space<semaphore_mem>> -> memref<1x!tpu.dma_semaphore, #tpu.memory_space<semaphore_mem>>
      %dma_wait3A_203 = tpu.memref_squeeze %dma_wait3A_202 : memref<1x!tpu.dma_semaphore, #tpu.memory_space<semaphore_mem>> -> memref<!tpu.dma_semaphore, #tpu.memory_space<semaphore_mem>>
      %dma_wait3A_204 = arith.constant 0 : i32
      %dma_wait3A_205 = arith.constant 0 : i32
      %dma_wait3A_206 = tpu.memref_slice %arg8[%dma_wait3A_193, %dma_wait3A_204, %dma_wait3A_205] : memref<2x128x64xf32, #tpu.memory_space<vmem>> -> memref<1x128x64xf32, #tpu.memory_space<vmem>>
      %dma_wait3A_207 = tpu.memref_squeeze %dma_wait3A_206 : memref<1x128x64xf32, #tpu.memory_space<vmem>> -> memref<128x64xf32, #tpu.memory_space<vmem>>
      %dma_wait3A_208 = arith.constant 0 : i32
      %dma_wait3A_209 = arith.constant 0 : i32
      %dma_wait3A_210 = tpu.memref_slice %arg3[%dma_wait3A_208, %dma_wait3A_209] : memref<100000x64xf32, #tpu.memory_space<hbm>> -> memref<128x64xf32, #tpu.memory_space<hbm>>
      tpu.wait_dma2 semaphore(%dma_wait3A_203 : memref<!tpu.dma_semaphore, #tpu.memory_space<semaphore_mem>>) src(%dma_wait3A_210 : memref<128x64xf32, #tpu.memory_space<hbm>>) dst(%dma_wait3A_207 : memref<128x64xf32, #tpu.memory_space<vmem>>)
      %dma_wait3A_211 = arith.constant 1 : i32
      %dma_wait3A_212 = arith.constant 1 : i32
      %dma_wait3A_213 = arith.constant 0 : i32
      %dma_wait3A_214 = arith.constant 0 : i32
      %dma_wait3A_215 = tpu.memref_slice %arg9[%dma_wait3A_211, %dma_wait3A_213, %dma_wait3A_214] : memref<2x128x64xf32, #tpu.memory_space<vmem>> -> memref<1x128x64xf32, #tpu.memory_space<vmem>>
      %dma_wait3A_216 = tpu.memref_squeeze %dma_wait3A_215 : memref<1x128x64xf32, #tpu.memory_space<vmem>> -> memref<128x64xf32, #tpu.memory_space<vmem>>
      %dma_wait3A_217 = arith.constant 0 : i32
      %dma_wait3A_218 = arith.constant 0 : i32
      %dma_wait3A_219 = tpu.memref_slice %arg4[%dma_wait3A_217, %dma_wait3A_218] : memref<4096x64xf32, #tpu.memory_space<hbm>> -> memref<128x64xf32, #tpu.memory_space<hbm>>
      %dma_wait3A_220 = tpu.memref_slice %arg11[%dma_wait3A_212] : memref<2x!tpu.dma_semaphore, #tpu.memory_space<semaphore_mem>> -> memref<1x!tpu.dma_semaphore, #tpu.memory_space<semaphore_mem>>
      %dma_wait3A_221 = tpu.memref_squeeze %dma_wait3A_220 : memref<1x!tpu.dma_semaphore, #tpu.memory_space<semaphore_mem>> -> memref<!tpu.dma_semaphore, #tpu.memory_space<semaphore_mem>>
      %dma_wait3A_222 = arith.constant 0 : i32
      %dma_wait3A_223 = arith.constant 0 : i32
      %dma_wait3A_224 = tpu.memref_slice %arg9[%dma_wait3A_211, %dma_wait3A_222, %dma_wait3A_223] : memref<2x128x64xf32, #tpu.memory_space<vmem>> -> memref<1x128x64xf32, #tpu.memory_space<vmem>>
      %dma_wait3A_225 = tpu.memref_squeeze %dma_wait3A_224 : memref<1x128x64xf32, #tpu.memory_space<vmem>> -> memref<128x64xf32, #tpu.memory_space<vmem>>
      %dma_wait3A_226 = arith.constant 0 : i32
      %dma_wait3A_227 = arith.constant 0 : i32
      %dma_wait3A_228 = tpu.memref_slice %arg4[%dma_wait3A_226, %dma_wait3A_227] : memref<4096x64xf32, #tpu.memory_space<hbm>> -> memref<128x64xf32, #tpu.memory_space<hbm>>
      tpu.wait_dma2 semaphore(%dma_wait3A_221 : memref<!tpu.dma_semaphore, #tpu.memory_space<semaphore_mem>>) src(%dma_wait3A_228 : memref<128x64xf32, #tpu.memory_space<hbm>>) dst(%dma_wait3A_225 : memref<128x64xf32, #tpu.memory_space<vmem>>)
      %mul3A_229 = arith.constant 128 : i32
      %mul3A_230 = arith.muli %add3A_185, %mul3A_229 : i32
      %add3A_231 = arith.addi %mul3A_2, %mul3A_230 : i32
      %dma_start3A_232 = arith.constant 1 : i32
      %dma_start3A_233 = arith.constant 1 : i32
      %dma_start3A_234 = arith.constant 0 : i32
      %dma_start3A_235 = arith.constant 0 : i32
      %dma_start3A_236 = tpu.memref_slice %arg8[%dma_start3A_232, %dma_start3A_234, %dma_start3A_235] : memref<2x128x64xf32, #tpu.memory_space<vmem>> -> memref<1x128x64xf32, #tpu.memory_space<vmem>>
      %dma_start3A_237 = tpu.memref_squeeze %dma_start3A_236 : memref<1x128x64xf32, #tpu.memory_space<vmem>> -> memref<128x64xf32, #tpu.memory_space<vmem>>
      %dma_start3A_238 = arith.constant 0 : i32
      %dma_start3A_239 = tpu.memref_slice %arg5[%add3A_231, %dma_start3A_238] : memref<204800x128xf32, #tpu.memory_space<hbm>> -> memref<128x64xf32, #tpu.memory_space<hbm>>
      %dma_start3A_240 = tpu.memref_slice %arg12[%dma_start3A_233] : memref<2x!tpu.dma_semaphore, #tpu.memory_space<semaphore_mem>> -> memref<1x!tpu.dma_semaphore, #tpu.memory_space<semaphore_mem>>
      %dma_start3A_241 = tpu.memref_squeeze %dma_start3A_240 : memref<1x!tpu.dma_semaphore, #tpu.memory_space<semaphore_mem>> -> memref<!tpu.dma_semaphore, #tpu.memory_space<semaphore_mem>>
      %dma_start3A_242 = arith.constant 0 : i32
      %dma_start3A_243 = tpu.memref_slice %arg5[%add3A_231, %dma_start3A_242] : memref<204800x128xf32, #tpu.memory_space<hbm>> -> memref<128x64xf32, #tpu.memory_space<hbm>>
      %dma_start3A_244 = arith.constant 0 : i32
      %dma_start3A_245 = arith.constant 0 : i32
      %dma_start3A_246 = tpu.memref_slice %arg8[%dma_start3A_232, %dma_start3A_244, %dma_start3A_245] : memref<2x128x64xf32, #tpu.memory_space<vmem>> -> memref<1x128x64xf32, #tpu.memory_space<vmem>>
      %dma_start3A_247 = tpu.memref_squeeze %dma_start3A_246 : memref<1x128x64xf32, #tpu.memory_space<vmem>> -> memref<128x64xf32, #tpu.memory_space<vmem>>
      tpu.enqueue_dma source(%dma_start3A_247 : memref<128x64xf32, #tpu.memory_space<vmem>>) target(%dma_start3A_243 : memref<128x64xf32, #tpu.memory_space<hbm>>) target_semaphore(%dma_start3A_241 : memref<!tpu.dma_semaphore, #tpu.memory_space<semaphore_mem>>)
      %dma_start3A_248 = arith.constant 1 : i32
      %dma_start3A_249 = arith.constant 1 : i32
      %dma_start3A_250 = arith.constant 0 : i32
      %dma_start3A_251 = arith.constant 0 : i32
      %dma_start3A_252 = tpu.memref_slice %arg9[%dma_start3A_248, %dma_start3A_250, %dma_start3A_251] : memref<2x128x64xf32, #tpu.memory_space<vmem>> -> memref<1x128x64xf32, #tpu.memory_space<vmem>>
      %dma_start3A_253 = tpu.memref_squeeze %dma_start3A_252 : memref<1x128x64xf32, #tpu.memory_space<vmem>> -> memref<128x64xf32, #tpu.memory_space<vmem>>
      %dma_start3A_254 = arith.constant 64 : i32
      %dma_start3A_255 = tpu.memref_slice %arg5[%add3A_231, %dma_start3A_254] : memref<204800x128xf32, #tpu.memory_space<hbm>> -> memref<128x64xf32, #tpu.memory_space<hbm>>
      %dma_start3A_256 = tpu.memref_slice %arg12[%dma_start3A_249] : memref<2x!tpu.dma_semaphore, #tpu.memory_space<semaphore_mem>> -> memref<1x!tpu.dma_semaphore, #tpu.memory_space<semaphore_mem>>
      %dma_start3A_257 = tpu.memref_squeeze %dma_start3A_256 : memref<1x!tpu.dma_semaphore, #tpu.memory_space<semaphore_mem>> -> memref<!tpu.dma_semaphore, #tpu.memory_space<semaphore_mem>>
      %dma_start3A_258 = arith.constant 64 : i32
      %dma_start3A_259 = tpu.memref_slice %arg5[%add3A_231, %dma_start3A_258] : memref<204800x128xf32, #tpu.memory_space<hbm>> -> memref<128x64xf32, #tpu.memory_space<hbm>>
      %dma_start3A_260 = arith.constant 0 : i32
      %dma_start3A_261 = arith.constant 0 : i32
      %dma_start3A_262 = tpu.memref_slice %arg9[%dma_start3A_248, %dma_start3A_260, %dma_start3A_261] : memref<2x128x64xf32, #tpu.memory_space<vmem>> -> memref<1x128x64xf32, #tpu.memory_space<vmem>>
      %dma_start3A_263 = tpu.memref_squeeze %dma_start3A_262 : memref<1x128x64xf32, #tpu.memory_space<vmem>> -> memref<128x64xf32, #tpu.memory_space<vmem>>
      tpu.enqueue_dma source(%dma_start3A_263 : memref<128x64xf32, #tpu.memory_space<vmem>>) target(%dma_start3A_259 : memref<128x64xf32, #tpu.memory_space<hbm>>) target_semaphore(%dma_start3A_257 : memref<!tpu.dma_semaphore, #tpu.memory_space<semaphore_mem>>)
    }
    %scan3A_38 = arith.constant 25 : i32
    %dma_wait3A = arith.constant 0 : i32
    %dma_wait3A_39 = arith.constant 0 : i32
    %dma_wait3A_40 = arith.constant 0 : i32
    %dma_wait3A_41 = arith.constant 0 : i32
    %dma_wait3A_42 = tpu.memref_slice %arg8[%dma_wait3A, %dma_wait3A_40, %dma_wait3A_41] : memref<2x128x64xf32, #tpu.memory_space<vmem>> -> memref<1x128x64xf32, #tpu.memory_space<vmem>>
    %dma_wait3A_43 = tpu.memref_squeeze %dma_wait3A_42 : memref<1x128x64xf32, #tpu.memory_space<vmem>> -> memref<128x64xf32, #tpu.memory_space<vmem>>
    %dma_wait3A_44 = arith.constant 0 : i32
    %dma_wait3A_45 = tpu.memref_slice %arg5[%mul3A_2, %dma_wait3A_44] : memref<204800x128xf32, #tpu.memory_space<hbm>> -> memref<128x64xf32, #tpu.memory_space<hbm>>
    %dma_wait3A_46 = tpu.memref_slice %arg12[%dma_wait3A_39] : memref<2x!tpu.dma_semaphore, #tpu.memory_space<semaphore_mem>> -> memref<1x!tpu.dma_semaphore, #tpu.memory_space<semaphore_mem>>
    %dma_wait3A_47 = tpu.memref_squeeze %dma_wait3A_46 : memref<1x!tpu.dma_semaphore, #tpu.memory_space<semaphore_mem>> -> memref<!tpu.dma_semaphore, #tpu.memory_space<semaphore_mem>>
    %dma_wait3A_48 = arith.constant 0 : i32
    %dma_wait3A_49 = tpu.memref_slice %arg5[%mul3A_2, %dma_wait3A_48] : memref<204800x128xf32, #tpu.memory_space<hbm>> -> memref<128x64xf32, #tpu.memory_space<hbm>>
    %dma_wait3A_50 = arith.constant 0 : i32
    %dma_wait3A_51 = arith.constant 0 : i32
    %dma_wait3A_52 = tpu.memref_slice %arg8[%dma_wait3A, %dma_wait3A_50, %dma_wait3A_51] : memref<2x128x64xf32, #tpu.memory_space<vmem>> -> memref<1x128x64xf32, #tpu.memory_space<vmem>>
    %dma_wait3A_53 = tpu.memref_squeeze %dma_wait3A_52 : memref<1x128x64xf32, #tpu.memory_space<vmem>> -> memref<128x64xf32, #tpu.memory_space<vmem>>
    tpu.wait_dma2 semaphore(%dma_wait3A_47 : memref<!tpu.dma_semaphore, #tpu.memory_space<semaphore_mem>>) src(%dma_wait3A_53 : memref<128x64xf32, #tpu.memory_space<vmem>>) dst(%dma_wait3A_49 : memref<128x64xf32, #tpu.memory_space<hbm>>)
    %dma_wait3A_54 = arith.constant 0 : i32
    %dma_wait3A_55 = arith.constant 0 : i32
    %dma_wait3A_56 = arith.constant 0 : i32
    %dma_wait3A_57 = arith.constant 0 : i32
    %dma_wait3A_58 = tpu.memref_slice %arg9[%dma_wait3A_54, %dma_wait3A_56, %dma_wait3A_57] : memref<2x128x64xf32, #tpu.memory_space<vmem>> -> memref<1x128x64xf32, #tpu.memory_space<vmem>>
    %dma_wait3A_59 = tpu.memref_squeeze %dma_wait3A_58 : memref<1x128x64xf32, #tpu.memory_space<vmem>> -> memref<128x64xf32, #tpu.memory_space<vmem>>
    %dma_wait3A_60 = arith.constant 64 : i32
    %dma_wait3A_61 = tpu.memref_slice %arg5[%mul3A_2, %dma_wait3A_60] : memref<204800x128xf32, #tpu.memory_space<hbm>> -> memref<128x64xf32, #tpu.memory_space<hbm>>
    %dma_wait3A_62 = tpu.memref_slice %arg12[%dma_wait3A_55] : memref<2x!tpu.dma_semaphore, #tpu.memory_space<semaphore_mem>> -> memref<1x!tpu.dma_semaphore, #tpu.memory_space<semaphore_mem>>
    %dma_wait3A_63 = tpu.memref_squeeze %dma_wait3A_62 : memref<1x!tpu.dma_semaphore, #tpu.memory_space<semaphore_mem>> -> memref<!tpu.dma_semaphore, #tpu.memory_space<semaphore_mem>>
    %dma_wait3A_64 = arith.constant 64 : i32
    %dma_wait3A_65 = tpu.memref_slice %arg5[%mul3A_2, %dma_wait3A_64] : memref<204800x128xf32, #tpu.memory_space<hbm>> -> memref<128x64xf32, #tpu.memory_space<hbm>>
    %dma_wait3A_66 = arith.constant 0 : i32
    %dma_wait3A_67 = arith.constant 0 : i32
    %dma_wait3A_68 = tpu.memref_slice %arg9[%dma_wait3A_54, %dma_wait3A_66, %dma_wait3A_67] : memref<2x128x64xf32, #tpu.memory_space<vmem>> -> memref<1x128x64xf32, #tpu.memory_space<vmem>>
    %dma_wait3A_69 = tpu.memref_squeeze %dma_wait3A_68 : memref<1x128x64xf32, #tpu.memory_space<vmem>> -> memref<128x64xf32, #tpu.memory_space<vmem>>
    tpu.wait_dma2 semaphore(%dma_wait3A_63 : memref<!tpu.dma_semaphore, #tpu.memory_space<semaphore_mem>>) src(%dma_wait3A_69 : memref<128x64xf32, #tpu.memory_space<vmem>>) dst(%dma_wait3A_65 : memref<128x64xf32, #tpu.memory_space<hbm>>)
    %dma_wait3A_70 = arith.constant 1 : i32
    %dma_wait3A_71 = arith.constant 1 : i32
    %dma_wait3A_72 = arith.constant 0 : i32
    %dma_wait3A_73 = arith.constant 0 : i32
    %dma_wait3A_74 = tpu.memref_slice %arg8[%dma_wait3A_70, %dma_wait3A_72, %dma_wait3A_73] : memref<2x128x64xf32, #tpu.memory_space<vmem>> -> memref<1x128x64xf32, #tpu.memory_space<vmem>>
    %dma_wait3A_75 = tpu.memref_squeeze %dma_wait3A_74 : memref<1x128x64xf32, #tpu.memory_space<vmem>> -> memref<128x64xf32, #tpu.memory_space<vmem>>
    %dma_wait3A_76 = arith.constant 0 : i32
    %dma_wait3A_77 = tpu.memref_slice %arg5[%mul3A_2, %dma_wait3A_76] : memref<204800x128xf32, #tpu.memory_space<hbm>> -> memref<128x64xf32, #tpu.memory_space<hbm>>
    %dma_wait3A_78 = tpu.memref_slice %arg12[%dma_wait3A_71] : memref<2x!tpu.dma_semaphore, #tpu.memory_space<semaphore_mem>> -> memref<1x!tpu.dma_semaphore, #tpu.memory_space<semaphore_mem>>
    %dma_wait3A_79 = tpu.memref_squeeze %dma_wait3A_78 : memref<1x!tpu.dma_semaphore, #tpu.memory_space<semaphore_mem>> -> memref<!tpu.dma_semaphore, #tpu.memory_space<semaphore_mem>>
    %dma_wait3A_80 = arith.constant 0 : i32
    %dma_wait3A_81 = tpu.memref_slice %arg5[%mul3A_2, %dma_wait3A_80] : memref<204800x128xf32, #tpu.memory_space<hbm>> -> memref<128x64xf32, #tpu.memory_space<hbm>>
    %dma_wait3A_82 = arith.constant 0 : i32
    %dma_wait3A_83 = arith.constant 0 : i32
    %dma_wait3A_84 = tpu.memref_slice %arg8[%dma_wait3A_70, %dma_wait3A_82, %dma_wait3A_83] : memref<2x128x64xf32, #tpu.memory_space<vmem>> -> memref<1x128x64xf32, #tpu.memory_space<vmem>>
    %dma_wait3A_85 = tpu.memref_squeeze %dma_wait3A_84 : memref<1x128x64xf32, #tpu.memory_space<vmem>> -> memref<128x64xf32, #tpu.memory_space<vmem>>
    tpu.wait_dma2 semaphore(%dma_wait3A_79 : memref<!tpu.dma_semaphore, #tpu.memory_space<semaphore_mem>>) src(%dma_wait3A_85 : memref<128x64xf32, #tpu.memory_space<vmem>>) dst(%dma_wait3A_81 : memref<128x64xf32, #tpu.memory_space<hbm>>)
    %dma_wait3A_86 = arith.constant 1 : i32
    %dma_wait3A_87 = arith.constant 1 : i32
    %dma_wait3A_88 = arith.constant 0 : i32
    %dma_wait3A_89 = arith.constant 0 : i32
    %dma_wait3A_90 = tpu.memref_slice %arg9[%dma_wait3A_86, %dma_wait3A_88, %dma_wait3A_89] : memref<2x128x64xf32, #tpu.memory_space<vmem>> -> memref<1x128x64xf32, #tpu.memory_space<vmem>>
    %dma_wait3A_91 = tpu.memref_squeeze %dma_wait3A_90 : memref<1x128x64xf32, #tpu.memory_space<vmem>> -> memref<128x64xf32, #tpu.memory_space<vmem>>
    %dma_wait3A_92 = arith.constant 64 : i32
    %dma_wait3A_93 = tpu.memref_slice %arg5[%mul3A_2, %dma_wait3A_92] : memref<204800x128xf32, #tpu.memory_space<hbm>> -> memref<128x64xf32, #tpu.memory_space<hbm>>
    %dma_wait3A_94 = tpu.memref_slice %arg12[%dma_wait3A_87] : memref<2x!tpu.dma_semaphore, #tpu.memory_space<semaphore_mem>> -> memref<1x!tpu.dma_semaphore, #tpu.memory_space<semaphore_mem>>
    %dma_wait3A_95 = tpu.memref_squeeze %dma_wait3A_94 : memref<1x!tpu.dma_semaphore, #tpu.memory_space<semaphore_mem>> -> memref<!tpu.dma_semaphore, #tpu.memory_space<semaphore_mem>>
    %dma_wait3A_96 = arith.constant 64 : i32
    %dma_wait3A_97 = tpu.memref_slice %arg5[%mul3A_2, %dma_wait3A_96] : memref<204800x128xf32, #tpu.memory_space<hbm>> -> memref<128x64xf32, #tpu.memory_space<hbm>>
    %dma_wait3A_98 = arith.constant 0 : i32
    %dma_wait3A_99 = arith.constant 0 : i32
    %dma_wait3A_100 = tpu.memref_slice %arg9[%dma_wait3A_86, %dma_wait3A_98, %dma_wait3A_99] : memref<2x128x64xf32, #tpu.memory_space<vmem>> -> memref<1x128x64xf32, #tpu.memory_space<vmem>>
    %dma_wait3A_101 = tpu.memref_squeeze %dma_wait3A_100 : memref<1x128x64xf32, #tpu.memory_space<vmem>> -> memref<128x64xf32, #tpu.memory_space<vmem>>
    tpu.wait_dma2 semaphore(%dma_wait3A_95 : memref<!tpu.dma_semaphore, #tpu.memory_space<semaphore_mem>>) src(%dma_wait3A_101 : memref<128x64xf32, #tpu.memory_space<vmem>>) dst(%dma_wait3A_97 : memref<128x64xf32, #tpu.memory_space<hbm>>)
    return
  }
}

</mosaic_0001>

<sc_bundles>
// kernel: kernel.3.cloned.1.call-start
scs
__scs_entry_jumppad:
0x0: {  	(pc) =	sbr.rel $0x88, $3  }
0x1: {  	(tag) =	ssettag $0x0;
	lr =	simm.s32 $0x1  }
0x2: {  	[smem:$0x3F9E] =	sst lr;
	_ =	strace $0xD0000000  }
0x3: {  	_ = 	snop  }
0x4: {  	_ = 	snop  }
0x5: {  	_ = 	snop  }
0x6: {  	_ = 	snop  }
0x7: {  	_ = 	snop  }
__scs_overlays_trampoline_lowered:
0x8: {  	[smem:$0x3FAD] =	sst s0  }
0x9: {  	[smem:$0x3FAE] =	sst s1  }
0xa: {  	[smem:$0x3FAF] =	sst s2  }
0xb: {  	[smem:$0x3FB0] =	sst s3  }
0xc: {  	[smem:$0x3FB1] =	sst s4  }
0xd: {  	[smem:$0x3FB2] =	sst s5  }
0xe: {  	[smem:$0x3FB3] =	sst s6  }
0xf: {  	[smem:$0x3FB4] =	sst s7  }
0x10: {  	[smem:$0x3FB5] =	sst s8  }
0x11: {  	[smem:$0x3FB6] =	sst s9;
	s0 =	simm.s32 @!p0 $0x0  }
0x12: {  	s1 =	sld [smem:$0x3F9C];
	s0 =	simm.s32 @p0 $0x1  }
0x13: {  	[smem:$0x3FB7] =	sst s0;
	s0 =	simm.s32 @!p1 $0x0  }
0x14: {  	s2 =	sld [smem:$0x3F9B];
	s0 =	simm.s32 @p1 $0x1  }
0x15: {  	[smem:$0x3FB8] =	sst s0;
	s0 =	simm.s32 @!p2 $0x0  }
0x16: {  	s3 =	sld [smem:$0x3FDB];
	s0 =	simm.s32 @p2 $0x1  }
0x17: {  	s4 =	simm.s32 $0x1BF5;
	[smem:$0x3FBA] =	sst s0  }
0x18: {  	s0 =	sld [smem:$0x3F9D];
	_ =	swait.ge [sflag:s4], $0x0  }
0x19: {  	s7 =	sld [smem:$0x3F9E]  }
0x1a: {  	s8 =	sadd.s32 $0xFFFFE003, lr  }
0x1b: {  	s9 =	sadd.s32 $0xFFFFFEF7, lr;
	s5 =	simm.s32 $0xFFFFFFFF;
	p2 =	slt.u32 s8, $0xFFFFF086  }
0x1c: {  	p1 =	slt.u32 s9, $0xF7A;
	s5 =	simm.s32 @!p2 $0x0  }
0x1d: {  	s5 =	simm.s32 @p1 $0x1;
	p0 =	seq.s32 s7, s2  }
0x1e: {  	s7 =	smul.u32 @!p0 $0xF7A, s2;
	p2 =	seq.s32 @!p0 s5, $0x0  }
0x1f: {  	s9 =	smul.u32 $0xF7A, s1;
	s8 =	simm.s32 @!p0 $0x1BF5;
	p2 =	por !p2, p0  }
0x20: {  	[sflag:s8] =	ssyncset.s32 @!p0 $0xFFFFF086;
	s6 =	sadd.s32 @!p0 s3, s7;
	s7 =	simm.s32 @!p0 $0x108  }
0x21: {  	s3 =	sadd.s32 s3, s9;
	s6 =	sadd.s32 @!p0 $0x88, s6;
	s7 =	simm.s32 @p2 $0x1082  }
0x22: {  	[simem:s7], [sflag:s8] =	dma.local @!p0 [hbm:s6], $0xF7A  }
0x23: {  	s9 =	sor.u32 $0xD0000000, s2;
	s6 =	simm.s32 $0x108;
	_ =	swait.ge @!p0 [sflag:s8], $0x0  }
0x24: {  	s3 =	sadd.s32 $0x88, s3;
	s6 =	simm.s32 @!p1 $0x1082;
	[sflag:s4] =	ssyncset.s32 $0xFFFFF086  }
0x25: {  	[simem:s6], [sflag:s4] =	dma.local [hbm:s3], $0xF7A  }
0x26: {  	[smem:$0x3F9E] =	sst s1;
	(tag) =	ssettag s2;
	_ =	strace s9  }
0x27: {  	s1 =	sld [smem:$0x3FAE]  }
0x28: {  	s2 =	sld [smem:$0x3FAF]  }
0x29: {  	s4 =	sld [smem:$0x3FB1]  }
0x2a: {  	p0 =	seq.s32 s5, $0x0;
	s5 =	sld [smem:$0x3FB2]  }
0x2b: {  	s6 =	sld [smem:$0x3FB3]  }
0x2c: {  	s7 =	sld [smem:$0x3FB4]  }
0x2d: {  	s3 =	simm.s32 $0x108;
	s8 =	sld [smem:$0x3FB5]  }
0x2e: {  	s3 =	simm.s32 @!p0 $0x1082;
	s9 =	sld [smem:$0x3FB6]  }
0x2f: {  	lr =	sadd.s32 s0, s3;
	s0 =	sld [smem:$0x3FAD]  }
0x30: {  	s3 =	sld [smem:$0x3FB0]  }
0x31: {  	[smem:$0x3FB9] =	sst s10  }
0x32: {  	s10 =	sld [smem:$0x3FB7];
	_ =	sdelay $0x3  }
0x33: {  	p0 =	seq.s32 s10, $0x1;
	s10 =	sld [smem:$0x3FB9];
	_ =	sdelay $0x3  }
0x34: {  	[smem:$0x3FB9] =	sst s10  }
0x35: {  	s10 =	sld [smem:$0x3FB8];
	_ =	sdelay $0x3  }
0x36: {  	p1 =	seq.s32 s10, $0x1;
	s10 =	sld [smem:$0x3FB9];
	_ =	sdelay $0x3  }
0x37: {  	[smem:$0x3FB9] =	sst s10  }
0x38: {  	s10 =	sld [smem:$0x3FBA]  }
0x39: {  	_ = 	snop;
	(pc) =	sbr.ind lr, $3  }
0x3a: {  	_ = 	snop  }
0x3b: {  	_ = 	snop  }
0x3c: {  	p2 =	seq.s32 s10, $0x1;
	s10 =	sld [smem:$0x3FB9]  }
0x3d: {  	_ =	shalt  }
0x3e: {  	_ =	shalt  }
0x3f: {  	_ =	shalt  }
0x40: {  	_ =	shalt  }
0x41: {  	_ =	shalt  }
0x42: {  	_ =	shalt  }
0x43: {  	_ =	shalt  }
0x44: {  	_ =	shalt  }
0x45: {  	_ =	shalt  }
0x46: {  	_ =	shalt  }
0x47: {  	_ =	shalt  }
0x48: {  	_ =	shalt  }
0x49: {  	_ =	shalt  }
0x4a: {  	_ =	shalt  }
0x4b: {  	_ =	shalt  }
0x4c: {  	_ =	shalt  }
0x4d: {  	_ =	shalt  }
0x4e: {  	_ =	shalt  }
0x4f: {  	_ =	shalt  }
0x50: {  	_ =	shalt  }
0x51: {  	_ =	shalt  }
0x52: {  	_ =	shalt  }
0x53: {  	_ =	shalt  }
0x54: {  	_ =	shalt  }
0x55: {  	_ =	shalt  }
0x56: {  	_ =	shalt  }
0x57: {  	_ =	shalt  }
0x58: {  	_ =	shalt  }
0x59: {  	_ =	shalt  }
0x5a: {  	_ =	shalt  }
0x5b: {  	_ =	shalt  }
0x5c: {  	_ =	shalt  }
0x5d: {  	_ =	shalt  }
0x5e: {  	_ =	shalt  }
0x5f: {  	_ =	shalt  }
0x60: {  	_ =	shalt  }
0x61: {  	_ =	shalt  }
0x62: {  	_ =	shalt  }
0x63: {  	_ =	shalt  }
0x64: {  	_ =	shalt  }
0x65: {  	_ =	shalt  }
0x66: {  	_ =	shalt  }
0x67: {  	_ =	shalt  }
0x68: {  	_ =	shalt  }
0x69: {  	_ =	shalt  }
0x6a: {  	_ =	shalt  }
0x6b: {  	_ =	shalt  }
0x6c: {  	_ =	shalt  }
0x6d: {  	_ =	shalt  }
0x6e: {  	_ =	shalt  }
0x6f: {  	_ =	shalt  }
0x70: {  	_ =	shalt  }
0x71: {  	_ =	shalt  }
0x72: {  	_ =	shalt  }
0x73: {  	_ =	shalt  }
0x74: {  	_ =	shalt  }
0x75: {  	_ =	shalt  }
0x76: {  	_ =	shalt  }
0x77: {  	_ =	shalt  }
0x78: {  	_ =	shalt  }
0x79: {  	_ =	shalt  }
0x7a: {  	_ =	shalt  }
0x7b: {  	_ =	shalt  }
0x7c: {  	_ =	shalt  }
0x7d: {  	_ =	shalt  }
0x7e: {  	_ =	shalt  }
0x7f: {  	_ =	shalt  }
0x80: {  	_ =	shalt  }
0x81: {  	_ =	shalt  }
0x82: {  	_ =	shalt  }
0x83: {  	_ =	shalt  }
0x84: {  	_ =	shalt  }
0x85: {  	_ =	shalt  }
0x86: {  	_ =	shalt  }
0x87: {  	_ =	shalt  }
.Lfunc_end0:
.L_simem_size_0:
called_computation.1_lowered:
.L_overlay_start_0:
0x88: {  	s2 =	sld [smem:$0x3FD9]  }
0x89: {  	s3 =	sld [smem:$0x3FFE];
	_ =	sdelay $0x1  }
0x8a: {  	s1 =	srdreg.scid  }
0x8b: {  	s0 =	sand.u32 $0x1, s1  }
0x8c: {  	s17 =	sshll.u32 s0, $0xA;
	s2 =	sadd.s32 s3, s2  }
0x8d: {  	s2 =	sadd.s32 s2, s17  }
0x8e: {  	[smem:$0x3FC5] =	sst s2  }
0x8f: {  	_ = 	snop  }
0x90: {  	s2 =	sld [smem:$0x3FD0];
	(tm) =	ssettm $0x1  }
0x91: {  	s18 =	sld [smem:$0x3FFB];
	_ =	sdelay $0x3  }
0x92: {  	_ =	strace s18  }
0x93: {  	s3 =	sld [smem:$0x3FFC];
	_ =	sdelay $0x3  }
0x94: {  	_ =	strace s3  }
0x95: {  	s3 =	sld [smem:$0x3FFD];
	_ =	sdelay $0x3  }
0x96: {  	_ =	strace s3  }
0x97: {  	_ =	strace $0x8FFFFFFF  }
0x98: {  	s19 =	sld [smem:$0x3FDB];
	_ =	sdelay $0x1  }
0x99: {  	s4 =	simm.s32 $_scs_section_size  }
0x9a: {  	s5 =	simm.s32 $_size__tile_overlayer_lowered;
	s6 =	simm.s32 $_tile_overlayer_lowered  }
0x9b: {  	s22 =	simm.s32 $0x1BFF;
	s21 =	sshll.u32 s6, $0x1;
	s3 =	sadd.s32 s4, s19  }
0x9c: {  	s7 =	simm.s32 $0x0;
	s20 =	sshll.u32 s5, $0x1;
	s5 =	sadd.s32 s21, s3  }
0x9d: {  	[timem:s7], [sflag:s22] =	dma.local [hbm:s5], s20  }
0x9e: {  	_ =	swait.ge [sflag:s22], s20  }
0x9f: {  	s4 =	ssub.s32 $0x0, s20;
	[sflag:s22] =	ssyncset.done $0x0  }
0xa0: {  	[sflag:s22] =	ssyncadd.s32 s4;
	_ =	sdelay $0x1  }
0xa1: {  	s23 =	simm.s32 $0x1B8B  }
0xa2: {  	_ =	swait.ge [sflag:s23], $0x1  }
0xa3: {  	[sflag:s23] =	ssyncset.done $0x0  }
0xa4: {  	s25 =	simm.s32 $0x1B8E;
	s24 =	sld [smem:$0x3FFE];
	[sflag:s23] =	ssyncadd.s32 $0xFFFFFFFF  }
0xa5: {  	s26 =	simm.s32 $execute0_lowered;
	[smem:$0x3FD2] =	sst s25  }
0xa6: {  	s5 =	sshll.u32 s26, $0x1;
	_ =	strace $0x80000046;
	[dreg:$0x1] =	wrdreg $0xFFFFFFFF  }
0xa7: {  	s28 =	simm.s32 $_size_execute0_lowered;
	s3 =	sadd.s32 s3, s5;
	[dreg:$0x0] =	wrdreg $0x0  }
0xa8: {  	s5 =	sshll.u32 s28, $0x1;
	[dreg:$0x2] =	wrdreg s3  }
0xa9: {  	[dreg:$0x3] =	wrdreg s5  }
0xaa: {  	[dreg:$0x4] =	wrdreg $0xC0  }
0xab: {  	_ =	task [dreg:s7], $0x5FFFF  }
0xac: {  	[dreg:$0x1] =	wrdreg $0xFFFFFFFF  }
0xad: {  	[dreg:$0x0] =	wrdreg $0x60  }
0xae: {  	[dreg:$0x2] =	wrdreg s24  }
0xaf: {  	[dreg:$0x3] =	wrdreg s2  }
0xb0: {  	[dreg:$0x4] =	wrdreg $0x9  }
0xb1: {  	_ =	task.clear_ibuf [dreg:s7], $0x5FFFF;
	_ =	strace $0x90000046  }
0xb2: {  	s29 =	simm.s32 $0x9;
	_ =	strace $0x80000048  }
0xb3: {  	_ =	swait.ge [sflag:s29], $0x1  }
0xb4: {  	[sflag:s29] =	ssyncadd.s32 $0xFFFFFFFF  }
0xb5: {  	_ =	strace $0x90000048  }
0xb6: {  	_ =	sfence  }
0xb7: {  	s30 =	sld [smem:$0x0];
	_ =	sdelay $0x2  }
0xb8: {  	s31 =	sshll.u32 s1, $0xD;
	s1 =	sshrl.u32 s1, $0x2  }
0xb9: {  	s3 =	sand.u32 $0x4000, s31;
	s1 =	sadd.s32 s1, s30  }
0xba: {  	s0 =	sor.u32 s3, s0;
	s1 =	sshll.u32 s1, $0x11  }
0xbb: {  	s0 =	sor.u32 s1, s0  }
0xbc: {  	s0 =	sadd.s32 $0x8F2B, s0  }
0xbd: {  	[sflag:s0] =	ssyncadd.remote.s32 $0x1  }
0xbe: {  	_ =	sfence.sel $0xFFFF  }
0xbf: {  	[dreg:$0x0] =	wrdreg $0xFFFFFFFF;
	(pc) =	sbr.abs _section_cstart, $3  }
0xc0: {  	[dreg:$0x1] =	wrdreg $0xFFFFFFFF  }
0xc1: {  	_ =	task.clear_ibuf [dreg:s7], $0x2FFFF;
	_ =	strace $0x9FFFFFFF  }
0xc2: {  	(tm) =	ssettm $0x7FFFFFFF  }
0xc3: {  	_ =	shalt  }
tec
execute0_lowered:
.L_overlay_start_1:
0x0: {  	(tag) =	ssettag $0x1  }
0x1: {  	s0 =	rddreg [dreg:$0x0];
	s1 =	srdreg.scid  }
0x2: {  	s8 =	stileid.u32;
	s2 =	rddreg [dreg:$0x1]  }
0x3: {  	s4 =	simm.s32 $0x0;
	s29 =	simm.s32 $0x9210;
	s30 =	simm.s32 $0x1  }
0x4: {  	s31 =	simm.s32 $0x3;
	s28 =	simm.s32 $0x4;
	s1 =	sand.u32 $0x1, s1  }
0x5: {  	s3 =	sshll.u32 s8, $0x1;
	[smem:$0x7FF] =	sst s4;
	s17 =	smul.u32 $0x190000, s8  }
0x6: {  	s3 =	sor.u32 s1, s3;
	s7 =	ssub.s32 $0x2, s1;
	s1 =	smul.u32 $0xC8000, s1  }
0x7: {  	s4 =	sadd.s32 $0xEC00, s0;
	s5 =	sadd.s32 $0x6C00, s0;
	s14 =	smul.u32 $0x320, s3  }
0x8: {  	_ =	strace $0x80000047;
	s15 =	sshrl.u32 s7, $0x1;
	s3 =	smul.u32 $0xC8000, s3  }
0x9: {  	s1 =	sadd.s32 s1, s17;
	s6 =	sadd.s32 s14, s0;
	s0 =	ssub.s32 s7, s15  }
0xa: {  	s7 =	sadd.s32 $0x8, s2;
	s16 =	sshrl.u32 s3, $0x3;
	s25 =	sadd.s32 $0xC000, s1  }
0xb: {  	s17 =	sadd.s32 $0x8000, s1;
	s1 =	simm.s32 $0x40;
	s6 =	sadd.s32 $0x800, s6  }
0xc: {  	s3 =	simm.s32 $0x6;
	s0 =	smax.u32 s0, $0x1;
	[dreg:$0x3] =	wrdreg s6  }
0xd: {  	s18 =	sadd.s32 s2, s16;
	s19 =	sor.u32 $0x800, s16;
	[dreg:$0x4] =	wrdreg s0  }
0xe: {  	s20 =	sadd.s32 s16, s7;
	s22 =	sadd.s32 $0x18000, s16;
	[dreg:$0x5] =	wrdreg s18  }
0xf: {  	s26 =	sshrl.u32 s25, $0x3;
	s25 =	simm.s32 $0x2;
	[dreg:$0x6] =	wrdreg s20  }
0x10: {  	s21 =	sadd.s32 s2, s19;
	s6 =	sadd.s32 s19, s7;
	s23 =	sadd.s32 s2, s22  }
0x11: {  	s24 =	sadd.s32 s22, s7;
	s0 =	sadd.s32 $0x18800, s16;
	[dreg:$0x7] =	wrdreg s21  }
0x12: {  	s11 =	sadd.s32 s26, s7;
	s19 =	simm.s32 $0x7;
	[dreg:$0x8] =	wrdreg s6  }
0x13: {  	s20 =	simm.s32 $0x80;
	s22 =	simm.s32 $0x3210;
	[dreg:$0x9] =	wrdreg s23  }
0x14: {  	s26 =	simm.s32 $0x5210;
	[dreg:$0xa] =	wrdreg s24;
	s15 =	sadd.s32 s2, s0  }
0x15: {  	s16 =	sadd.s32 s0, s7;
	s21 =	simm.s32 $0x10;
	s23 =	simm.s32 $0x1910  }
0x16: {  	v0 =	vlaneseq.u32;
	s24 =	simm.s32 $0x7210;
	s0 =	simm.s32 $0x5;
	s6 =	simm.s32 $0x0  }
.LBB2_1:
0x17: {  	s8 =	simm.s32 $0x0;
	s9 =	rddreg [dreg:$0x3]  }
0x18: {  	[tilespmem:s21], [sflag:$0x7] =	stream.linear.gather [hbm4b:s9+s8], $0x1900, $0x38;
	[tilespmem:$0xB210] =	vst v63  }
0x19: {  	_ =	swait.ge [sflag:s19], $0x1900  }
0x1a: {  	[sflag:s19] =	ssyncset.done $0x0  }
0x1b: {  	[sflag:s19] =	ssyncadd.s32 $0xFFFFE700  }
0x1c: {  	v1 =	vld [tilespmem:s21+$0xFFFFFFFF]  }
0x1d: {  	v2 =	vor.u32 s8, v0  }
0x1e: {  	v2 =	vmul.u32 $0xC28F5C29, v2  }
0x1f: {  	v3 =	vld [tilespmem:s21+$0x0]  }
0x20: {  	v4 =	vshll.u32 v2, $0x1F;
	v2 =	vshrl.u32 v2, $0x1  }
0x21: {  	v2 =	vor.u32 v4, v2;
	v1 =	vmul.u32 $0x6A0, v1  }
0x22: {  	vm0 =	vle.u32 v2, $0x51EB851  }
0x23: {  	v1 =	vsel vm0, $0x0, v1  }
0x24: {  	v1 =	vadd.s32 v3, v1  }
0x25: {  	v1 =	vand.u32 $0xFFF, v1  }
0x26: {  	s9 =	simm.s32 $0x20;
	[tilespmem:s23+$0x0] =	vst v1  }
0x27: {  	s10 =	simm.s32 $0x10;
	s18 =	simm.s32 $0x20;
	s8 =	simm.s32 $0x1910;
	v1 =	vld [tilespmem:s9+$0xFFFFFFFF]  }
.LBB2_2:
0x28: {  	p0 =	sne.s32 s18, $0x18F0;
	v2 =	vor.u32 s10, v0;
	s10 =	smov.u32 s18  }
0x29: {  	v2 =	vmul.u32 $0xC28F5C29, v2  }
0x2a: {  	v3 =	vld [tilespmem:s9+$0x0]  }
0x2b: {  	v4 =	vshll.u32 v2, $0x1F;
	v2 =	vshrl.u32 v2, $0x1  }
0x2c: {  	v2 =	vor.u32 v4, v2;
	v1 =	vmul.u32 $0x6A0, v1  }
0x2d: {  	vm0 =	vle.u32 v2, $0x51EB851  }
.Ltmp0:
0x2e: {  	v1 =	vsel vm0, $0x0, v1;
	(pc) =	sbr.rel @p0 .LBB2_2-.Ltmp0, $4  }
0x2f: {  	v1 =	vadd.s32 v3, v1  }
0x30: {  	s8 =	sadd.s32 $0x10, s8;
	v1 =	vand.u32 $0xFFF, v1  }
0x31: {  	s9 =	sadd.s32 $0x10, s9;
	[tilespmem:s8+$0x0] =	vst v1  }
0x32: {  	s18 =	sadd.s32 $0x10, s18;
	v1 =	vld [tilespmem:s9+$0xFFFFFFFF]  }
0x33: {  	v2 =	vor.u32 s10, v0  }
0x34: {  	v2 =	vmul.u32 $0xC28F5C29, v2  }
0x35: {  	v3 =	vld [tilespmem:s9+$0x0]  }
0x36: {  	v4 =	vshll.u32 v2, $0x1F;
	v2 =	vshrl.u32 v2, $0x1  }
0x37: {  	v2 =	vor.u32 v4, v2;
	v1 =	vmul.u32 $0x6A0, v1  }
0x38: {  	vm0 =	vle.u32 v2, $0x51EB851  }
0x39: {  	v1 =	vsel vm0, $0x0, v1  }
0x3a: {  	v1 =	vadd.s32 v3, v1  }
0x3b: {  	s8 =	sadd.s32 $0x10, s8;
	v1 =	vand.u32 $0xFFF, v1  }
0x3c: {  	[tilespmem:s8+$0x0] =	vst v1  }
0x3d: {  	[tilespmem:s22], [sflag:$0x1] =	stream.indirect.gather [hbm4b:s4+s20], $0x40, s21, s20, $0xb8;
	[tilespmem:$0xB210] =	vst v63  }
0x3e: {  	_ = 	snop  }
0x3f: {  	[tilespmem:s24], [sflag:$0x3] =	stream.indirect.gather [hbm4b:s5+s20], $0x40, s23, s20, $0xb8;
	[tilespmem:$0xB210] =	vst v63  }
0x40: {  	s13 =	simm.s32 $0x90  }
0x41: {  	[tilespmem:s26], [sflag:$0x2] =	stream.indirect.gather [hbm4b:s4+s20], $0x40, s13, s20, $0xb8;
	[tilespmem:$0xB210] =	vst v63  }
0x42: {  	s14 =	simm.s32 $0x1990  }
0x43: {  	[tilespmem:s29], [sflag:$0x4] =	stream.indirect.gather [hbm4b:s5+s20], $0x40, s14, s20, $0xb8;
	[tilespmem:$0xB210] =	vst v63  }
0x44: {  	_ =	swait.ge [sflag:s30], $0x2000  }
0x45: {  	[sflag:s30] =	ssyncset.done $0x0  }
0x46: {  	[sflag:s30] =	ssyncadd.s32 $0xFFFFE000  }
0x47: {  	_ =	swait.ge [sflag:s31], $0x2000  }
0x48: {  	[sflag:s31] =	ssyncset.done $0x0  }
0x49: {  	s18 =	rddreg [dreg:$0x5];
	[sflag:s31] =	ssyncadd.s32 $0xFFFFE000  }
0x4a: {  	[hbm4b:s18+s1] =	stream.strided.scatter [tilespmem:s22], [sflag:$0x5], $0x2000, s20, s1, $0x38;
	[tilespmem:$0xB210] =	vst v63  }
0x4b: {  	s9 =	rddreg [dreg:$0x6]  }
0x4c: {  	[hbm4b:s9+s1] =	stream.strided.scatter [tilespmem:s24], [sflag:$0x5], $0x2000, s20, s1, $0x38;
	[tilespmem:$0xB210] =	vst v63  }
0x4d: {  	_ =	swait.ge [sflag:s0], $0x2000  }
0x4e: {  	[sflag:s0] =	ssyncset.done $0x0  }
0x4f: {  	[sflag:s0] =	ssyncadd.s32 $0xFFFFE000  }
0x50: {  	_ =	swait.ge [sflag:s0], $0x2000  }
0x51: {  	[sflag:s0] =	ssyncset.done $0x0  }
0x52: {  	s10 =	simm.s32 $0x110;
	[sflag:s0] =	ssyncadd.s32 $0xFFFFE000  }
0x53: {  	[tilespmem:s22], [sflag:$0x1] =	stream.indirect.gather [hbm4b:s4+s20], $0x40, s10, s20, $0xb8;
	[tilespmem:$0xB210] =	vst v63  }
0x54: {  	s12 =	simm.s32 $0x1A10  }
0x55: {  	[tilespmem:s24], [sflag:$0x3] =	stream.indirect.gather [hbm4b:s5+s20], $0x40, s12, s20, $0xb8;
	[tilespmem:$0xB210] =	vst v63  }
0x56: {  	_ =	swait.ge [sflag:s25], $0x2000  }
0x57: {  	[sflag:s25] =	ssyncset.done $0x0  }
0x58: {  	[sflag:s25] =	ssyncadd.s32 $0xFFFFE000  }
0x59: {  	_ =	swait.ge [sflag:s28], $0x2000  }
0x5a: {  	[sflag:s28] =	ssyncset.done $0x0  }
0x5b: {  	s13 =	rddreg [dreg:$0x7];
	[sflag:s28] =	ssyncadd.s32 $0xFFFFE000  }
0x5c: {  	[hbm4b:s13+s1] =	stream.strided.scatter [tilespmem:s26], [sflag:$0x6], $0x2000, s20, s1, $0x38;
	[tilespmem:$0xB210] =	vst v63  }
0x5d: {  	s14 =	rddreg [dreg:$0x8]  }
0x5e: {  	[hbm4b:s14+s1] =	stream.strided.scatter [tilespmem:s29], [sflag:$0x6], $0x2000, s20, s1, $0x38;
	[tilespmem:$0xB210] =	vst v63  }
0x5f: {  	_ =	swait.ge [sflag:s3], $0x2000  }
0x60: {  	[sflag:s3] =	ssyncset.done $0x0  }
0x61: {  	[sflag:s3] =	ssyncadd.s32 $0xFFFFE000  }
0x62: {  	_ =	swait.ge [sflag:s3], $0x2000  }
0x63: {  	[sflag:s3] =	ssyncset.done $0x0  }
0x64: {  	s18 =	simm.s32 $0x190;
	[sflag:s3] =	ssyncadd.s32 $0xFFFFE000  }
0x65: {  	[tilespmem:s26], [sflag:$0x2] =	stream.indirect.gather [hbm4b:s4+s20], $0x40, s18, s20, $0xb8;
	[tilespmem:$0xB210] =	vst v63  }
0x66: {  	s9 =	simm.s32 $0x1A90  }
0x67: {  	[tilespmem:s29], [sflag:$0x4] =	stream.indirect.gather [hbm4b:s5+s20], $0x40, s9, s20, $0xb8;
	[tilespmem:$0xB210] =	vst v63  }
0x68: {  	_ =	swait.ge [sflag:s30], $0x2000  }
0x69: {  	[sflag:s30] =	ssyncset.done $0x0  }
0x6a: {  	[sflag:s30] =	ssyncadd.s32 $0xFFFFE000  }
0x6b: {  	_ =	swait.ge [sflag:s31], $0x2000  }
0x6c: {  	s10 =	sshrl.u32 s17, $0x3;
	[sflag:s31] =	ssyncset.done $0x0  }
0x6d: {  	s12 =	sadd.s32 s2, s10;
	[sflag:s31] =	ssyncadd.s32 $0xFFFFE000  }
0x6e: {  	[hbm4b:s12+s1] =	stream.strided.scatter [tilespmem:s22], [sflag:$0x5], $0x2000, s20, s1, $0x38;
	[tilespmem:$0xB210] =	vst v63  }
0x6f: {  	s8 =	sadd.s32 s10, s7  }
0x70: {  	[hbm4b:s8+s1] =	stream.strided.scatter [tilespmem:s24], [sflag:$0x5], $0x2000, s20, s1, $0x38;
	[tilespmem:$0xB210] =	vst v63  }
0x71: {  	_ =	swait.ge [sflag:s0], $0x2000  }
0x72: {  	[sflag:s0] =	ssyncset.done $0x0  }
0x73: {  	[sflag:s0] =	ssyncadd.s32 $0xFFFFE000  }
0x74: {  	_ =	swait.ge [sflag:s0], $0x2000  }
0x75: {  	[sflag:s0] =	ssyncset.done $0x0  }
0x76: {  	s13 =	simm.s32 $0x210;
	[sflag:s0] =	ssyncadd.s32 $0xFFFFE000  }
0x77: {  	[tilespmem:s22], [sflag:$0x1] =	stream.indirect.gather [hbm4b:s4+s20], $0x40, s13, s20, $0xb8;
	[tilespmem:$0xB210] =	vst v63  }
0x78: {  	s14 =	simm.s32 $0x1B10  }
0x79: {  	[tilespmem:s24], [sflag:$0x3] =	stream.indirect.gather [hbm4b:s5+s20], $0x40, s14, s20, $0xb8;
	[tilespmem:$0xB210] =	vst v63  }
0x7a: {  	_ =	swait.ge [sflag:s25], $0x2000  }
0x7b: {  	[sflag:s25] =	ssyncset.done $0x0  }
0x7c: {  	[sflag:s25] =	ssyncadd.s32 $0xFFFFE000  }
0x7d: {  	_ =	swait.ge [sflag:s28], $0x2000  }
0x7e: {  	[sflag:s28] =	ssyncset.done $0x0  }
0x7f: {  	s10 =	sadd.s32 $0x1000, s11;
	s18 =	sadd.s32 $0xFFFFFFF8, s11;
	[sflag:s28] =	ssyncadd.s32 $0xFFFFE000  }
0x80: {  	[hbm4b:s18+s1] =	stream.strided.scatter [tilespmem:s26], [sflag:$0x6], $0x2000, s20, s1, $0x38;
	[tilespmem:$0xB210] =	vst v63  }
0x81: {  	s9 =	sadd.s32 $0x8000, s17;
	s8 =	simm.s32 $0x400;
	s18 =	smov.u32 s11  }
.LBB2_4:
0x82: {  	[hbm4b:s18+s1] =	stream.strided.scatter [tilespmem:s29], [sflag:$0x6], $0x2000, s20, s1, $0x38;
	[tilespmem:$0xB210] =	vst v63  }
0x83: {  	s12 =	smov.u32 s8;
	s18 =	smov.u32 s10  }
0x84: {  	p0 =	sne.s32 s8, $0x5800;
	s8 =	sadd.s32 $0x400, s8;
	_ =	swait.ge [sflag:s3], $0x2000  }
0x85: {  	[sflag:s3] =	ssyncset.done $0x0  }
0x86: {  	[sflag:s3] =	ssyncadd.s32 $0xFFFFE000  }
0x87: {  	_ =	swait.ge [sflag:s3], $0x2000  }
0x88: {  	s12 =	sshra.s32 s12, $0x2;
	[sflag:s3] =	ssyncset.done $0x0  }
0x89: {  	s13 =	sadd.s32 $0x190, s12;
	[sflag:s3] =	ssyncadd.s32 $0xFFFFE000  }
0x8a: {  	[tilespmem:s26], [sflag:$0x2] =	stream.indirect.gather [hbm4b:s4+s20], $0x40, s13, s20, $0xb8;
	[tilespmem:$0xB210] =	vst v63  }
0x8b: {  	s13 =	sadd.s32 $0x1A90, s12  }
0x8c: {  	[tilespmem:s29], [sflag:$0x4] =	stream.indirect.gather [hbm4b:s5+s20], $0x40, s13, s20, $0xb8;
	[tilespmem:$0xB210] =	vst v63  }
0x8d: {  	_ =	swait.ge [sflag:s30], $0x2000  }
0x8e: {  	[sflag:s30] =	ssyncset.done $0x0  }
0x8f: {  	[sflag:s30] =	ssyncadd.s32 $0xFFFFE000  }
0x90: {  	_ =	swait.ge [sflag:s31], $0x2000  }
0x91: {  	s13 =	sshrl.u32 s9, $0x3;
	[sflag:s31] =	ssyncset.done $0x0  }
0x92: {  	s14 =	sadd.s32 s2, s13;
	[sflag:s31] =	ssyncadd.s32 $0xFFFFE000  }
0x93: {  	[hbm4b:s14+s1] =	stream.strided.scatter [tilespmem:s22], [sflag:$0x5], $0x2000, s20, s1, $0x38;
	[tilespmem:$0xB210] =	vst v63  }
0x94: {  	s13 =	sadd.s32 s13, s7  }
0x95: {  	[hbm4b:s13+s1] =	stream.strided.scatter [tilespmem:s24], [sflag:$0x5], $0x2000, s20, s1, $0x38;
	[tilespmem:$0xB210] =	vst v63  }
0x96: {  	_ =	swait.ge [sflag:s0], $0x2000  }
0x97: {  	[sflag:s0] =	ssyncset.done $0x0  }
0x98: {  	[sflag:s0] =	ssyncadd.s32 $0xFFFFE000  }
0x99: {  	_ =	swait.ge [sflag:s0], $0x2000  }
0x9a: {  	[sflag:s0] =	ssyncset.done $0x0  }
0x9b: {  	s13 =	sadd.s32 $0x210, s12;
	[sflag:s0] =	ssyncadd.s32 $0xFFFFE000  }
0x9c: {  	[tilespmem:s22], [sflag:$0x1] =	stream.indirect.gather [hbm4b:s4+s20], $0x40, s13, s20, $0xb8;
	[tilespmem:$0xB210] =	vst v63  }
0x9d: {  	s12 =	sadd.s32 $0x1B10, s12  }
0x9e: {  	[tilespmem:s24], [sflag:$0x3] =	stream.indirect.gather [hbm4b:s5+s20], $0x40, s12, s20, $0xb8;
	[tilespmem:$0xB210] =	vst v63  }
0x9f: {  	_ =	swait.ge [sflag:s25], $0x2000  }
0xa0: {  	[sflag:s25] =	ssyncset.done $0x0  }
0xa1: {  	[sflag:s25] =	ssyncadd.s32 $0xFFFFE000  }
.Ltmp1:
0xa2: {  	_ =	swait.ge [sflag:s28], $0x2000;
	(pc) =	sbr.rel @p0 .LBB2_4-.Ltmp1, $4  }
0xa3: {  	[sflag:s28] =	ssyncset.done $0x0  }
0xa4: {  	s12 =	sadd.s32 $0xFFFFFFF8, s10;
	[sflag:s28] =	ssyncadd.s32 $0xFFFFE000  }
0xa5: {  	[hbm4b:s12+s1] =	stream.strided.scatter [tilespmem:s26], [sflag:$0x6], $0x2000, s20, s1, $0x38;
	[tilespmem:$0xB210] =	vst v63  }
0xa6: {  	s9 =	sadd.s32 $0x8000, s9;
	s10 =	sadd.s32 $0x1000, s10  }
0xa7: {  	[hbm4b:s18+s1] =	stream.strided.scatter [tilespmem:s29], [sflag:$0x6], $0x2000, s20, s1, $0x38;
	[tilespmem:$0xB210] =	vst v63  }
0xa8: {  	_ =	swait.ge [sflag:s3], $0x2000  }
0xa9: {  	[sflag:s3] =	ssyncset.done $0x0  }
0xaa: {  	[sflag:s3] =	ssyncadd.s32 $0xFFFFE000  }
0xab: {  	_ =	swait.ge [sflag:s3], $0x2000  }
0xac: {  	[sflag:s3] =	ssyncset.done $0x0  }
0xad: {  	s8 =	simm.s32 $0x1890;
	[sflag:s3] =	ssyncadd.s32 $0xFFFFE000  }
0xae: {  	[tilespmem:s26], [sflag:$0x2] =	stream.indirect.gather [hbm4b:s4+s20], $0x40, s8, s20, $0xb8;
	[tilespmem:$0xB210] =	vst v63  }
0xaf: {  	s12 =	simm.s32 $0x3190  }
0xb0: {  	[tilespmem:s29], [sflag:$0x4] =	stream.indirect.gather [hbm4b:s5+s20], $0x40, s12, s20, $0xb8;
	[tilespmem:$0xB210] =	vst v63  }
0xb1: {  	_ =	swait.ge [sflag:s30], $0x2000  }
0xb2: {  	[sflag:s30] =	ssyncset.done $0x0  }
0xb3: {  	[sflag:s30] =	ssyncadd.s32 $0xFFFFE000  }
0xb4: {  	_ =	swait.ge [sflag:s31], $0x2000  }
0xb5: {  	[sflag:s31] =	ssyncset.done $0x0  }
0xb6: {  	s13 =	rddreg [dreg:$0x9];
	[sflag:s31] =	ssyncadd.s32 $0xFFFFE000  }
0xb7: {  	[hbm4b:s13+s1] =	stream.strided.scatter [tilespmem:s22], [sflag:$0x5], $0x2000, s20, s1, $0x38;
	[tilespmem:$0xB210] =	vst v63  }
0xb8: {  	s14 =	rddreg [dreg:$0xa]  }
0xb9: {  	[hbm4b:s14+s1] =	stream.strided.scatter [tilespmem:s24], [sflag:$0x5], $0x2000, s20, s1, $0x38;
	[tilespmem:$0xB210] =	vst v63  }
0xba: {  	_ =	swait.ge [sflag:s25], $0x2000  }
0xbb: {  	[sflag:s25] =	ssyncset.done $0x0  }
0xbc: {  	[sflag:s25] =	ssyncadd.s32 $0xFFFFE000  }
0xbd: {  	_ =	swait.ge [sflag:s28], $0x2000  }
0xbe: {  	[sflag:s28] =	ssyncset.done $0x0  }
0xbf: {  	[sflag:s28] =	ssyncadd.s32 $0xFFFFE000  }
0xc0: {  	[hbm4b:s15+s1] =	stream.strided.scatter [tilespmem:s26], [sflag:$0x6], $0x2000, s20, s1, $0x38;
	[tilespmem:$0xB210] =	vst v63  }
0xc1: {  	_ = 	snop  }
0xc2: {  	[hbm4b:s16+s1] =	stream.strided.scatter [tilespmem:s29], [sflag:$0x6], $0x2000, s20, s1, $0x38;
	[tilespmem:$0xB210] =	vst v63  }
0xc3: {  	_ =	swait.ge [sflag:s0], $0x2000  }
0xc4: {  	[sflag:s0] =	ssyncset.done $0x0  }
0xc5: {  	[sflag:s0] =	ssyncadd.s32 $0xFFFFE000  }
0xc6: {  	_ =	swait.ge [sflag:s0], $0x2000  }
0xc7: {  	[sflag:s0] =	ssyncset.done $0x0  }
0xc8: {  	[sflag:s0] =	ssyncadd.s32 $0xFFFFE000  }
0xc9: {  	_ =	swait.ge [sflag:s3], $0x2000  }
0xca: {  	[sflag:s3] =	ssyncset.done $0x0  }
0xcb: {  	[sflag:s3] =	ssyncadd.s32 $0xFFFFE000  }
0xcc: {  	_ =	swait.ge [sflag:s3], $0x2000  }
0xcd: {  	s6 =	sadd.s32 $0x1, s6;
	s18 =	rddreg [dreg:$0x4]  }
0xce: {  	p0 =	sne.s32 s6, s18  }
.Ltmp2:
0xcf: {  	_ = 	snop;
	(pc) =	sbr.rel @p0 .LBB2_1-.Ltmp2, $3  }
0xd0: {  	_ =	sdelay $0x1  }
0xd1: {  	[sflag:s3] =	ssyncset.done $0x0  }
0xd2: {  	[sflag:s3] =	ssyncadd.s32 $0xFFFFE000  }
0xd3: {  	_ =	sfence.sel $0x180000  }
0xd4: {  	[bflag:$0x0] =	sbarrier.arrive $0xFFFF  }
0xd5: {  	_ =	strace $0x90000047  }
0xd6: {  	s0 =	stileid.u32;
	[bflag:$0x2] =	sbarrier.arrive $0xFFFF  }
0xd7: {  	p0 =	sne.s32 s0, $0x0;
	s0 =	rddreg [dreg:$0x2]  }
0xd8: {  	s0 =	sadd.s32 @!p0 $0x100000, s0  }
0xd9: {  	[sflag:s0] =	ssyncadd.tile.s32 @!p0 $0x1;
	_ =	shalt  }
.Lfunc_end2:
_tile_overlayer_lowered:
.L_overlay_start_2:
0xda: {  	(tag) =	ssettag $0x2  }
0xdb: {  	s0 =	rddreg [dreg:$0x0];
	s2 =	stileid.u32  }
0xdc: {  	s1 =	rddreg [dreg:$0x1];
	p0 =	sne.s32 s2, $0x0  }
0xdd: {  	s3 =	rddreg [dreg:$0x2];
	[bflag:$0x3] =	sbarrier.arrive $0xFFFF;
	s2 =	simm.s32 @!p0 $0x1C07  }
0xde: {  	[timem:s3], [sflag:s2] =	dma.local @!p0 [hbm:s0], s1  }
0xdf: {  	s0 =	simm.s32 @!p0 $0x7  }
0xe0: {  	_ =	swait.ge @!p0 [sflag:s0], s1  }
0xe1: {  	s1 =	ssub.s32 @!p0 $0x0, s1;
	[sflag:s0] =	ssyncset.done @!p0 $0x0  }
0xe2: {  	[sflag:s0] =	ssyncadd.s32 @!p0 s1  }
0xe3: {  	[bflag:$0x3] =	sbarrier.arrive $0xFFFF  }
0xe4: {  	_ =	shalt  }

// kernel: sparse-core-data-format-call.cloned.1.call-start
scs
called_computation_lowered:
.L_overlay_start_0:
0x0: {  	s2 =	sld [smem:$0x3FD9]  }
0x1: {  	s3 =	sld [smem:$0x3FFE];
	_ =	sdelay $0x1  }
0x2: {  	s1 =	srdreg.scid  }
0x3: {  	s0 =	sand.u32 $0x1, s1  }
0x4: {  	s18 =	sshll.u32 s0, $0xA;
	s2 =	sadd.s32 s3, s2  }
0x5: {  	s2 =	sadd.s32 s2, s18  }
0x6: {  	[smem:$0x3FC5] =	sst s2  }
0x7: {  	_ = 	snop  }
0x8: {  	s2 =	sld [smem:$0x3FD0];
	(tm) =	ssettm $0x1  }
0x9: {  	s19 =	sld [smem:$0x3FFB];
	_ =	sdelay $0x3  }
0xa: {  	_ =	strace s19  }
0xb: {  	s3 =	sld [smem:$0x3FFC];
	_ =	sdelay $0x3  }
0xc: {  	_ =	strace s3  }
0xd: {  	s3 =	sld [smem:$0x3FFD];
	_ =	sdelay $0x3  }
0xe: {  	_ =	strace s3  }
0xf: {  	_ =	strace $0x8FFFFFFF  }
0x10: {  	s20 =	sld [smem:$0x3FDB];
	_ =	sdelay $0x1  }
0x11: {  	s4 =	simm.s32 $_scs_section_size  }
0x12: {  	s5 =	simm.s32 $_size__tile_overlayer_lowered;
	s6 =	simm.s32 $_tile_overlayer_lowered  }
0x13: {  	s23 =	simm.s32 $0x1BFF;
	s22 =	sshll.u32 s6, $0x1;
	s3 =	sadd.s32 s4, s20  }
0x14: {  	s7 =	simm.s32 $0x0;
	s21 =	sshll.u32 s5, $0x1;
	s5 =	sadd.s32 s22, s3  }
0x15: {  	[timem:s7], [sflag:s23] =	dma.local [hbm:s5], s21  }
0x16: {  	_ =	swait.ge [sflag:s23], s21  }
0x17: {  	s4 =	ssub.s32 $0x0, s21;
	[sflag:s23] =	ssyncset.done $0x0  }
0x18: {  	[sflag:s23] =	ssyncadd.s32 s4;
	_ =	sdelay $0x1  }
0x19: {  	s24 =	simm.s32 $0x1B8B  }
0x1a: {  	_ =	swait.ge [sflag:s24], $0x1  }
0x1b: {  	[sflag:s24] =	ssyncset.done $0x0  }
0x1c: {  	s26 =	simm.s32 $0x1B8E;
	s25 =	sld [smem:$0x3FFE];
	[sflag:s24] =	ssyncadd.s32 $0xFFFFFFFF  }
0x1d: {  	s27 =	simm.s32 $execute0_lowered;
	[smem:$0x3FD2] =	sst s26  }
0x1e: {  	s5 =	sshll.u32 s27, $0x1;
	_ =	strace $0x80000049;
	[dreg:$0x1] =	wrdreg $0xFFFFFFFF  }
0x1f: {  	s28 =	simm.s32 $_size_execute0_lowered;
	s3 =	sadd.s32 s3, s5;
	[dreg:$0x0] =	wrdreg $0x0  }
0x20: {  	s5 =	sshll.u32 s28, $0x1;
	[dreg:$0x2] =	wrdreg s3  }
0x21: {  	[dreg:$0x3] =	wrdreg s5  }
0x22: {  	[dreg:$0x4] =	wrdreg $0xC0  }
0x23: {  	_ =	task [dreg:s7], $0x5FFFF  }
0x24: {  	[dreg:$0x1] =	wrdreg $0xFFFFFFFF  }
0x25: {  	[dreg:$0x0] =	wrdreg $0x60  }
0x26: {  	[dreg:$0x2] =	wrdreg s25  }
0x27: {  	[dreg:$0x3] =	wrdreg s2  }
0x28: {  	[dreg:$0x4] =	wrdreg $0x9  }
0x29: {  	_ =	task.clear_ibuf [dreg:s7], $0x5FFFF;
	_ =	strace $0x90000049  }
0x2a: {  	s29 =	simm.s32 $0x9;
	_ =	strace $0x8000004B  }
0x2b: {  	_ =	swait.ge [sflag:s29], $0x1  }
0x2c: {  	[sflag:s29] =	ssyncadd.s32 $0xFFFFFFFF  }
0x2d: {  	_ =	strace $0x9000004B  }
0x2e: {  	_ =	sfence  }
0x2f: {  	s30 =	sld [smem:$0x0];
	_ =	sdelay $0x2  }
0x30: {  	s31 =	sshll.u32 s1, $0xD;
	s1 =	sshrl.u32 s1, $0x2  }
0x31: {  	s3 =	sand.u32 $0x4000, s31;
	s1 =	sadd.s32 s1, s30  }
0x32: {  	s0 =	sor.u32 s3, s0;
	s1 =	sshll.u32 s1, $0x11  }
0x33: {  	s0 =	sor.u32 s1, s0  }
0x34: {  	s0 =	sadd.s32 $0x8F2B, s0  }
0x35: {  	[sflag:s0] =	ssyncadd.remote.s32 $0x1  }
0x36: {  	_ =	sfence.sel $0xFFFF  }
0x37: {  	[dreg:$0x0] =	wrdreg $0xFFFFFFFF;
	(pc) =	sbr.abs _section_cstart, $3  }
0x38: {  	[dreg:$0x1] =	wrdreg $0xFFFFFFFF  }
0x39: {  	_ =	task.clear_ibuf [dreg:s7], $0x2FFFF;
	_ =	strace $0x9FFFFFFF  }
0x3a: {  	(tm) =	ssettm $0x7FFFFFFF  }
0x3b: {  	_ =	shalt  }
tec
execute0_lowered:
.L_overlay_start_1:
0x0: {  	(tag) =	ssettag $0x1  }
0x1: {  	s0 =	srdreg.scid  }
0x2: {  	s1 =	sshll.u32 s0, $0x4  }
0x3: {  	s0 =	stileid.u32;
	s1 =	sand.u32 $0x10, s1  }
0x4: {  	s1 =	sor.u32 s0, s1  }
0x5: {  	s6 =	rddreg [dreg:$0x0];
	s4 =	simm.s32 $0x1;
	s2 =	sshll.u32 s1, $0x6  }
0x6: {  	s7 =	simm.s32 $0x2;
	s13 =	simm.s32 $0x0;
	s1 =	ssub.s32 $0x1000, s2  }
0x7: {  	s8 =	simm.s32 $0x2000;
	s9 =	simm.s32 $0x80000;
	s3 =	sand.u32 $0x7C0, s1  }
0x8: {  	s14 =	simm.s32 $0x0;
	s5 =	sshrl.u32 s1, $0xB;
	p0 =	sne.s32 s3, $0x0  }
.Ltmp0:
0x9: {  	s1 =	rddreg [dreg:$0x2];
	s4 =	simm.s32 @!p0 $0x0;
	(pc) =	sbr.rel .LBB1_1-.Ltmp0, $4  }
0xa: {  	s10 =	simm.s32 $0x0;
	s3 =	rddreg [dreg:$0x1];
	s5 =	sadd.s32 s4, s5  }
0xb: {  	_ =	strace $0x8000004A;
	s4 =	simm.s32 $0x1;
	s5 =	smul.u32 $0x19, s5  }
0xc: {  	s12 =	simm.s32 $0x0;
	s6 =	sadd.s32 $0x800, s6;
	[sflag:s4] =	ssyncpa.u1 $0x0  }
0xd: {  	s11 =	smov.u32 s2;
	[sflag:s7] =	ssyncpa.u1 $0x0;
	s7 =	sadd.s32 $0x1, s5  }
.LBB1_7:
0xe: {  	s15 =	sadd.s32 $0x2, s10  }
0xf: {  	s13 =	sadd.s32 $0x800, s11;
	s17 =	smov.u32 s11;
	p1 =	sgt.s32 s15, $0x31  }
0x10: {  	s17 =	smov.u32 @p1 s13  }
0x11: {  	s15 =	simm.s32 @p1 $0x0;
	p1 =	sgt.s32 s17, $0xFFF  }
0x12: {  	s17 =	smov.u32 @p1 s2;
	p1 =	sne.s32 s12, s7  }
.Ltmp1:
0x13: {  	p0 =	slt.u32 s12, $0x2;
	(pc) =	sbr.rel @!p1 .LBB1_8-.Ltmp1, $4  }
0x14: {  	s16 =	simm.s32 @!p0 $0x2  }
0x15: {  	s14 =	smov.u32 s11;
	_ =	swait.ge @!p0 [sflag:s16], $0x4000  }
0x16: {  	s13 =	smov.u32 s10;
	[sflag:s16] =	ssyncset.done @!p0 $0x0;
	s10 =	smov.u32 s15  }
0x17: {  	s12 =	sadd.s32 $0x1, s12;
	[sflag:s16] =	ssyncadd.s32 @!p0 $0xFFFFC000;
	s11 =	smov.u32 s17  }
.LBB1_1:
0x18: {  	p0 =	sge.u32 s12, s5  }
0x19: {  	s15 =	sand.u32 @!p0 $0x1FFFFFF, s10  }
0x1a: {  	s16 =	smulhi.u32 @!p0 $0x4924925, s15;
	_ =	sdelay $0x1  }
0x1b: {  	s16 =	smul.u32 @!p0 $0x38, s16  }
0x1c: {  	s17 =	sxor.u32 @!p0 $0xFFFFFFFF, s12;
	s18 =	smul.u32 @!p0 $0x380, s11  }
0x1d: {  	s31 =	sadd.s32 $0xFFFFFFFF, s12;
	s17 =	sshll.u32 @!p0 s17, $0xE;
	s15 =	ssub.s32 @!p0 s15, s16  }
0x1e: {  	s16 =	sand.u32 @!p0 $0x4000, s17;
	s17 =	sadd.s32 @!p0 s6, s18;
	s15 =	sshll.u32 @!p0 s15, $0x4  }
0x1f: {  	s18 =	simm.s32 @!p0 $0x1C00;
	s15 =	sadd.s32 @!p0 s15, s17;
	s17 =	simm.s32 @!p0 $0x100  }
0x20: {  	[tilespmem:s16], [sflag:$0x1] =	stream.strided.gather @!p0 [hbm4b:s15+s17], $0x4000, s18, s17, $0x38;
	[tilespmem:$0x10000] =	vst v63  }
0x21: {  	p0 =	sge.u32 s31, s5  }
.Ltmp2:
0x22: {  	_ = 	snop;
	(pc) =	sbr.rel @p0 .LBB1_7-.Ltmp2, $1  }
0x23: {  	_ =	sdelay $0x3  }
0x24: {  	_ =	swait.ge [sflag:s4], $0x4000;
	s15 =	sshll.u32 s12, $0xE  }
0x25: {  	[sflag:s4] =	ssyncset.done $0x0;
	s16 =	sand.u32 $0x4000, s15  }
0x26: {  	s17 =	simm.s32 $0x0;
	[sflag:s4] =	ssyncadd.s32 $0xFFFFC000;
	s15 =	sor.u32 $0x8000, s16  }
.LBB1_3:
0x27: {  	s18 =	sshll.u32 s17, $0x8  }
0x28: {  	s18 =	sand.u32 $0x3FFFFF00, s18  }
0x29: {  	s19 =	sshll.u32 s17, $0x7;
	s18 =	sadd.s32 s18, s16  }
0x2a: {  	s19 =	sand.u32 $0x3FFFFF80, s19;
	v0 =	vmov s18  }
0x2b: {  	s19 =	sadd.s32 s19, s15  }
0x2c: {  	p0 =	por $0x1, $0x1;
	v1 =	vmov s19;
	s18 =	simm.s32 $0x0  }
.LBB1_4:
0x2d: {  	s19 =	sshll.u32 s18, $0x7  }
0x2e: {  	s19 =	sand.u32 $0x3FFFFF80, s19  }
0x2f: {  	v2 =	vld.idx.msk [tilespmem:v0+s19+$0x0 ss:$0x1], $0xffff  }
0x30: {  	v3 =	vld.idx.msk [tilespmem:v0+s19+$0x10 ss:$0x1], $0xffff  }
0x31: {  	v4 =	vld.idx.msk [tilespmem:v0+s19+$0x20 ss:$0x1], $0xffff  }
0x32: {  	s31 =	sshll.u32 s18, $0xD;
	v5 =	vld.idx.msk [tilespmem:v0+s19+$0x30 ss:$0x1], $0xffff  }
0x33: {  	s18 =	sand.u32 $0x3FFFE000, s31;
	v6 =	vld.idx.msk [tilespmem:v0+s19+$0x40 ss:$0x1], $0xffff  }
0x34: {  	v63 =	vld.idx.msk [tilespmem:v0+s19+$0x70 ss:$0x1], $0xffff;
	[tilespmem:v1+s18+$0x0 ss:$0x1] =	vst.idx.msk $0xffff, v2  }
0x35: {  	v2 =	vld.idx.msk [tilespmem:v0+s19+$0x50 ss:$0x1], $0xffff;
	[tilespmem:v1+s18+$0x10 ss:$0x1] =	vst.idx.msk $0xffff, v3  }
0x36: {  	p1 =	por p0, p0;
	v3 =	vld.idx.msk [tilespmem:v0+s19+$0x60 ss:$0x1], $0xffff;
	[tilespmem:v1+s18+$0x20 ss:$0x1] =	vst.idx.msk $0xffff, v4  }
.Ltmp3:
0x37: {  	[tilespmem:v1+s18+$0x30 ss:$0x1] =	vst.idx.msk $0xffff, v5;
	(pc) =	sbr.rel @p1 .LBB1_4-.Ltmp3, $4  }
0x38: {  	[tilespmem:v1+s18+$0x40 ss:$0x1] =	vst.idx.msk $0xffff, v6  }
0x39: {  	[tilespmem:v1+s18+$0x70 ss:$0x1] =	vst.idx.msk $0xffff, v63  }
0x3a: {  	[tilespmem:v1+s18+$0x50 ss:$0x1] =	vst.idx.msk $0xffff, v2  }
0x3b: {  	p0 =	por $0x0, $0x0;
	[tilespmem:v1+s18+$0x60 ss:$0x1] =	vst.idx.msk $0xffff, v3;
	s18 =	simm.s32 $0x1  }
0x3c: {  	s17 =	sadd.s32 $0x1, s17  }
0x3d: {  	p0 =	sne.s32 s17, $0x40  }
.Ltmp4:
0x3e: {  	_ = 	snop;
	(pc) =	sbr.rel @p0 .LBB1_3-.Ltmp4, $1  }
0x3f: {  	_ =	sdelay $0x3  }
.Ltmp5:
0x40: {  	s14 =	sshll.u32 s14, $0x4;
	(pc) =	sbr.rel .LBB1_7-.Ltmp5, $4  }
0x41: {  	s14 =	sand.u32 $0xFFF0, s14  }
0x42: {  	s13 =	sshll.u32 s13, $0x10;
	s14 =	sadd.s32 s3, s14  }
0x43: {  	s13 =	sadd.s32 s13, s14  }
0x44: {  	[hbm4b:s13+s8] =	stream.strided.scatter [tilespmem:s15], [sflag:$0x2], $0x4000, s9, s8, $0x38;
	[tilespmem:$0x10000] =	vst v63  }
.LBB1_8:
0x45: {  	_ =	sfence.sel $0x180000  }
0x46: {  	s2 =	simm.s32 $0x1;
	[bflag:$0x0] =	sbarrier.arrive $0xFFFF  }
0x47: {  	s31 =	simm.s32 $0x2;
	[sflag:s2] =	ssyncpa.u1 $0x1  }
0x48: {  	[sflag:s31] =	ssyncpa.u1 $0x1  }
0x49: {  	p0 =	sne.s32 s0, $0x0;
	_ =	strace $0x9000004A  }
0x4a: {  	s0 =	sadd.s32 @!p0 $0x100000, s1;
	[bflag:$0x2] =	sbarrier.arrive $0xFFFF  }
0x4b: {  	[sflag:s0] =	ssyncadd.tile.s32 @!p0 $0x1;
	_ =	shalt  }
.Lfunc_end1:
_tile_overlayer_lowered:
.L_overlay_start_2:
0x4c: {  	(tag) =	ssettag $0x2  }
0x4d: {  	s0 =	rddreg [dreg:$0x0];
	s2 =	stileid.u32  }
0x4e: {  	s1 =	rddreg [dreg:$0x1];
	p0 =	sne.s32 s2, $0x0  }
0x4f: {  	s3 =	rddreg [dreg:$0x2];
	[bflag:$0x3] =	sbarrier.arrive $0xFFFF;
	s2 =	simm.s32 @!p0 $0x1C01  }
0x50: {  	[timem:s3], [sflag:s2] =	dma.local @!p0 [hbm:s0], s1  }
0x51: {  	s0 =	simm.s32 @!p0 $0x1  }
0x52: {  	_ =	swait.ge @!p0 [sflag:s0], s1  }
0x53: {  	s1 =	ssub.s32 @!p0 $0x0, s1;
	[sflag:s0] =	ssyncset.done @!p0 $0x0  }
0x54: {  	[sflag:s0] =	ssyncadd.s32 @!p0 s1  }
0x55: {  	[bflag:$0x3] =	sbarrier.arrive $0xFFFF  }
0x56: {  	_ =	shalt  }

</sc_bundles>
